<compile_context>
chip_gen: v7x
topology: tpu7x:2x2x1
jax: 0.10.2.dev20260603
libtpu: 0.0.44.dev20260713+nightly
codegen_flags: <defaults>
</compile_context>

<pallas_src>
import jax
import jax.numpy as jnp
from jax import lax
from jax.experimental import pallas as pl
from jax.experimental.pallas import tpu as pltpu
from jax.experimental.pallas import tpu_sc as plsc

_B = 128
_NC = 2
_NS = 16
_LANES = 16


def _lane_gather(vec, idx):
    return lax.gather(
        vec,
        idx[:, None],
        dimension_numbers=lax.GatherDimensionNumbers(
            offset_dims=(), collapsed_slice_dims=(0,), start_index_map=(0,)),
        slice_sizes=(1,),
        mode=lax.GatherScatterMode.PROMISE_IN_BOUNDS,
    )


def _proj_body(h_ref, wz_ref, a_ref, z_ref, st_ref):
    hb = h_ref[...]
    z = jnp.dot(hb, wz_ref[...], preferred_element_type=jnp.float32)
    z_ref[...] = z
    st_ref[...] = jnp.dot(z, a_ref[...], preferred_element_type=jnp.float32)


def _comb_body(h_ref, a_ref, d_ref, p_ref, o_ref):
    num = a_ref[...]
    d = d_ref[...]
    r = jnp.where(d > 0, 1.0 / jnp.where(d > 0, d, 1.0), 0.0)
    rexp = jnp.dot(r, p_ref[...], preferred_element_type=jnp.float32)
    hag = num * rexp
    o_ref[...] = h_ref[...] + jnp.where(hag > 0, hag, jnp.exp(hag) - 1.0)


def kernel(h, edge_index, e, W_fc, W_attn):
    N, D = h.shape
    E = edge_index.shape[1]
    H, O, _ = W_fc.shape
    HO = H * O
    SW = 2 * H
    STW = HO
    HALF = N // _NC
    DUMA = ((HALF + 127) // 128) * 128
    AROWS = DUMA + 128
    ZA = AROWS // _NS
    DUMD = DUMA // 8
    DROWS = DUMD + 128
    ZD = DROWS // _NS
    NCHUNK = E // _B
    NK = (NCHUNK + _NS - 1) // _NS

    Wz = W_fc.reshape(HO, D).T
    r_idx = jnp.arange(HO)
    hh = r_idx // O
    oo = r_idx % O
    j16 = jnp.arange(SW)
    w1 = W_attn[hh, oo]
    w2 = W_attn[hh, O + oo]
    A = (jnp.where(j16[None, :] == hh[:, None], w1[:, None], 0.0)
         + jnp.where(j16[None, :] == (H + hh)[:, None], w2[:, None], 0.0))
    A = jnp.pad(A, ((0, 0), (0, STW - SW)))

    bn = 1000
    z_flat, st = pl.pallas_call(
        _proj_body,
        grid=(N // bn,),
        in_specs=[
            pl.BlockSpec((bn, D), lambda i: (i, 0)),
            pl.BlockSpec((D, HO), lambda i: (0, 0)),
            pl.BlockSpec((HO, STW), lambda i: (0, 0)),
        ],
        out_specs=[
            pl.BlockSpec((bn, HO), lambda i: (i, 0)),
            pl.BlockSpec((bn, STW), lambda i: (i, 0)),
        ],
        out_shape=[
            jax.ShapeDtypeStruct((N, HO), jnp.float32),
            jax.ShapeDtypeStruct((N, STW), jnp.float32),
        ],
    )(h, Wz, A)

    src = edge_index[0]
    dst = edge_index[1]

    def sc_body(src_h, dst_h, st_h, z_h, acc_o, den_o,
                src_v, dst_v, dstm_v, dstd8_v, sts_v, std_v, zrows_v, den_v,
                acc_s, den_s, sem):
        c = lax.axis_index("c")
        s = lax.axis_index("s")

        def zrow_body(r, zcarry):
            for k2 in range(HO // _LANES):
                zrows_v[r, pl.ds(k2 * _LANES, _LANES)] = jnp.zeros(
                    (_LANES,), jnp.float32)
            return zcarry

        lax.fori_loop(0, _B, zrow_body, 0)
        for blk in range(ZA // _B):
            pltpu.sync_copy(zrows_v, acc_s.at[pl.ds(s * ZA + blk * _B, _B)])
        rem = ZA % _B
        if rem:
            pltpu.sync_copy(
                zrows_v.at[pl.ds(0, rem)],
                acc_s.at[pl.ds(s * ZA + (ZA // _B) * _B, rem)])
        pltpu.sync_copy(zrows_v.at[pl.ds(0, ZD)],
                        den_s.at[pl.ds(s * ZD, ZD)])
        plsc.subcore_barrier()

        def chunk_body(k, carry):
            ch = s + k * _NS

            @pl.when(ch < NCHUNK)
            def _():
                base = ch * _B
                i1 = pltpu.async_copy(src_h.at[pl.ds(base, _B)], src_v, sem)
                i2 = pltpu.async_copy(dst_h.at[pl.ds(base, _B)], dst_v, sem)
                i1.wait()
                i2.wait()
                g1 = pltpu.async_copy(st_h.at[src_v], sts_v, sem)
                g2 = pltpu.async_copy(st_h.at[dst_v], std_v, sem)
                g3 = pltpu.async_copy(z_h.at[src_v], zrows_v, sem)

                def grp_body(g, gcarry):
                    dv = dst_v[pl.ds(g * _LANES, _LANES)]
                    my = dv - c * HALF
                    val = (jnp.clip(my + 1, 0, 1)
                           * jnp.clip(HALF - my, 0, 1))
                    inv = 1 - val
                    dstm_v[pl.ds(g * _LANES, _LANES)] = val * my + inv * DUMA
                    dstd8_v[pl.ds(g * _LANES, _LANES)] = (
                        val * lax.shift_right_logical(my, 3) + inv * DUMD)
                    return gcarry

                lax.fori_loop(0, _B // _LANES, grp_body, 0, unroll=2)
                g1.wait()
                g2.wait()
                g3.wait()

                lane = lax.broadcasted_iota(jnp.int32, (_LANES,), 0)
                rot = (lane + H) % _LANES
                maskf = jnp.clip(float(H) - lane.astype(jnp.float32), 0.0, 1.0)
                bcast = [jnp.full((_LANES,), k2, jnp.int32) for k2 in range(H)]

                def edge_body(ei, ecarry):
                    a = sts_v[ei, pl.ds(0, _LANES)]
                    b = std_v[ei, pl.ds(0, _LANES)]
                    t = a + _lane_gather(b, rot)
                    lr = jnp.minimum(jnp.maximum(t, 0.01 * t), 50.0)
                    ex = jnp.exp(lr) * maskf
                    for k2 in range(H):
                        exh = _lane_gather(ex, bcast[k2])
                        zv = zrows_v[ei, pl.ds(k2 * _LANES, _LANES)]
                        zrows_v[ei, pl.ds(k2 * _LANES, _LANES)] = zv * exh
                    gbase = lax.shift_left(lax.shift_right_logical(ei, 4), 4)
                    dv = dst_v[pl.ds(gbase, _LANES)]
                    dq = _lane_gather(
                        jnp.bitwise_and(dv, 7).astype(jnp.float32),
                        jnp.full((_LANES,), jnp.bitwise_and(ei, 15), jnp.int32))
                    for q in range(8):
                        eqf = 1.0 - jnp.clip(jnp.abs(dq - float(q)), 0.0, 1.0)
                        den_v[ei, pl.ds(q * _LANES, _LANES)] = ex * eqf
                    return ecarry

                lax.fori_loop(0, _B, edge_body, 0)
                s1 = pltpu.async_copy(den_v, den_s.at[dstd8_v], sem, add=True)
                s2 = pltpu.async_copy(zrows_v, acc_s.at[dstm_v], sem, add=True)
                s1.wait()
                s2.wait()

            return carry

        lax.fori_loop(0, NK, chunk_body, 0)
        plsc.subcore_barrier()

        out_base = pl.multiple_of(c * AROWS + s * ZA, 8)
        pltpu.sync_copy(acc_s.at[pl.ds(s * ZA, ZA)],
                        acc_o.at[pl.ds(out_base, ZA)])
        dout_base = pl.multiple_of(c * DROWS + s * ZD, 8)
        pltpu.sync_copy(den_s.at[pl.ds(s * ZD, ZD)],
                        den_o.at[pl.ds(dout_base, ZD)])

    mesh = plsc.VectorSubcoreMesh(core_axis_name="c", subcore_axis_name="s")
    acc2, den2 = pl.kernel(
        sc_body,
        out_type=[
            jax.ShapeDtypeStruct((_NC * AROWS, HO), jnp.float32),
            jax.ShapeDtypeStruct((_NC * DROWS, HO), jnp.float32),
        ],
        mesh=mesh,
        scratch_types=[
            pltpu.VMEM((_B,), jnp.int32),
            pltpu.VMEM((_B,), jnp.int32),
            pltpu.VMEM((_B,), jnp.int32),
            pltpu.VMEM((_B,), jnp.int32),
            pltpu.VMEM((_B, STW), jnp.float32),
            pltpu.VMEM((_B, STW), jnp.float32),
            pltpu.VMEM((_B, HO), jnp.float32),
            pltpu.VMEM((_B, HO), jnp.float32),
            pltpu.VMEM_SHARED((AROWS, HO), jnp.float32),
            pltpu.VMEM_SHARED((DROWS, HO), jnp.float32),
            pltpu.SemaphoreType.DMA,
        ],
    )(src, dst, st, z_flat)

    acc_n = jnp.concatenate([acc2[:HALF], acc2[AROWS:AROWS + HALF]])
    dpk = HALF // 8
    den_n = jnp.concatenate([
        den2[:dpk].reshape(HALF, SW),
        den2[DROWS:DROWS + dpk].reshape(HALF, SW),
    ])

    cc = jnp.arange(HO)
    P = (jnp.arange(SW)[:, None] == (cc // O)[None, :]).astype(jnp.float32)
    h_out = pl.pallas_call(
        _comb_body,
        grid=(N // bn,),
        in_specs=[
            pl.BlockSpec((bn, D), lambda i: (i, 0)),
            pl.BlockSpec((bn, HO), lambda i: (i, 0)),
            pl.BlockSpec((bn, SW), lambda i: (i, 0)),
            pl.BlockSpec((SW, HO), lambda i: (0, 0)),
        ],
        out_specs=pl.BlockSpec((bn, D), lambda i: (i, 0)),
        out_shape=jax.ShapeDtypeStruct((N, D), jnp.float32),
    )(h, acc_n, den_n, P)

    return (h_out, e)

# --- scband reference (transcript-rebuilt; emitter-appended) ---
"""Pipeline reference for scband-custom-gatlayer-25632364822806 (READ-ONLY COPY).

The authoritative reference and input builder live on the scoring server;
editing this copy changes nothing except your own understanding.
"""

import jax, jax.numpy as jnp
import numpy as np

N = 10000
E = 320000
D = 128
H = 8
O = 16
D_EDGE = 16


def setup_inputs(seed: int = 0) -> dict:
    key = jax.random.key(seed)
    k1, k2, k3, k4, k5 = jax.random.split(key, 5)
    h = jax.random.normal(k1, (N, D), dtype=jnp.float32)
    edge_index = jax.random.randint(k2, (2, E), 0, N, dtype=jnp.int32)
    e = jax.random.normal(k3, (E, D_EDGE), dtype=jnp.float32)
    # per-head fc weight (out_dim, in_dim) stacked over heads -> [H, O, D]
    W_fc = jax.random.normal(k4, (H, O, D), dtype=jnp.float32) * 0.1
    # per-head attn_fc weight (1, 2*O) flattened -> [H, 2*O]
    W_attn = jax.random.normal(k5, (H, 2 * O), dtype=jnp.float32) * 0.1
    return {"h": h, "edge_index": edge_index, "e": e, "W_fc": W_fc, "W_attn": W_attn}


def reference(h, edge_index, e, W_fc, W_attn):
    # CustomGATLayer with num_heads parallel CustomGATHeadLayers (vectorized over H),
    # dropout=0.0 (eval), batch_norm=False, residual=True (in_dim == out_dim*num_heads).
    src = edge_index[0]
    dst = edge_index[1]
    # z = fc(h) per head
    z = jnp.einsum('nd,hod->nho', h, W_fc)            # [N, H, O]
    z_src = jnp.take(z, src, axis=0)                  # [E, H, O]
    z_dst = jnp.take(z, dst, axis=0)                  # [E, H, O]
    # edge_attention: leaky_relu(attn_fc([z_src ; z_dst]))
    cat = jnp.concatenate([z_src, z_dst], axis=-1)    # [E, H, 2O]
    logits = jax.nn.leaky_relu(jnp.einsum('ehk,hk->eh', cat, W_attn), negative_slope=0.01)  # [E, H]
    # reduce: softmax over incoming edges per dst node
    m = jax.ops.segment_max(logits, dst, num_segments=N)   # [N, H]
    m = jnp.where(jnp.isfinite(m), m, 0.0)
    ex = jnp.exp(logits - m[dst])                      # [E, H]
    den = jax.ops.segment_sum(ex, dst, num_segments=N)  # [N, H]
    den_e = den[dst]
    alpha = ex / jnp.where(den_e == 0, 1.0, den_e)      # [E, H]
    h_agg = jax.ops.segment_sum(alpha[..., None] * z_src, dst, num_segments=N)  # [N, H, O]
    h_act = jax.nn.elu(h_agg)
    h_cat = h_act.reshape(N, H * O)                     # merge='cat'
    h_out = h + h_cat                                    # residual
    return (h_out, e)

if __name__ == "__main__":
    import jax
    _d = setup_inputs()
    print(jax.jit(kernel)(*tuple(_d.values())))

</pallas_src>

<mosaic_0001>
#map = affine_map<(d0, d1) -> (0)>
#map1 = affine_map<(d0, d1) -> (0, 0)>
module attributes {stable_mosaic.version = 14 : i64} {
  func.func @sc_body(%arg0: i32, %arg1: i32, %arg2: memref<320000xi32, #tpu.memory_space<hbm>>, %arg3: memref<320000xi32, #tpu.memory_space<hbm>>, %arg4: memref<10000x128xf32, #tpu.memory_space<hbm>>, %arg5: memref<10000x128xf32, #tpu.memory_space<hbm>>, %arg6: memref<10496x128xf32, #tpu.memory_space<hbm>>, %arg7: memref<1536x128xf32, #tpu.memory_space<hbm>>, %arg8: memref<128xi32, #tpu.memory_space<vmem>>, %arg9: memref<128xi32, #tpu.memory_space<vmem>>, %arg10: memref<128xi32, #tpu.memory_space<vmem>>, %arg11: memref<128xi32, #tpu.memory_space<vmem>>, %arg12: memref<128x128xf32, #tpu.memory_space<vmem>>, %arg13: memref<128x128xf32, #tpu.memory_space<vmem>>, %arg14: memref<128x128xf32, #tpu.memory_space<vmem>>, %arg15: memref<128x128xf32, #tpu.memory_space<vmem>>, %arg16: memref<5248x128xf32, #tpu.memory_space<vmem_shared>>, %arg17: memref<768x128xf32, #tpu.memory_space<vmem_shared>>, %arg18: memref<!tpu.dma_semaphore, #tpu.memory_space<semaphore_mem>>) attributes {dimension_semantics = [#tpu.dimension_semantics<core_parallel>, #tpu.dimension_semantics<subcore_parallel>], iteration_bounds = array<i64: 2, 16>, scalar_prefetch = 0 : i64, scratch_operands = 11 : i64, tpu.core_type = #tpu.core_type<sc_vector_subcore>, window_params = [{transform_indices = #map}, {transform_indices = #map}, {transform_indices = #map1}, {transform_indices = #map1}, {transform_indices = #map1}, {transform_indices = #map1}]} {
    %scan3A = arith.constant 0 : i32
    %scan3A_0 = arith.constant 0 : i32
    %scan3A_1 = arith.constant 128 : i32
    %scan3A_2 = arith.addi %scan3A_0, %scan3A_1 : i32
    %scan3A_3 = arith.constant 1 : i32
    scf.for %scan3A_39 = %scan3A_0 to %scan3A_2 step %scan3A_3  : i32 {
      %broadcast_in_dim3A = arith.constant 0.000000e+00 : f32
      %broadcast_in_dim3A_40 = vector.broadcast %broadcast_in_dim3A : f32 to vector<16xf32>
      %swap3A = arith.index_cast %scan3A_39 : i32 to index
      %swap3A_41 = arith.constant 0 : index
      %swap3A_42 = tpu.vector_load %arg14[%swap3A, %swap3A_41] {strides = array<i32>} : memref<128x128xf32, #tpu.memory_space<vmem>>, vector<1x16xf32>,
      %swap3A_43 = vector.shape_cast %swap3A_42 : vector<1x16xf32> to vector<16xf32>
      %swap3A_44 = vector.shape_cast %broadcast_in_dim3A_40 : vector<16xf32> to vector<1x16xf32>
      tpu.vector_store %arg14[%swap3A, %swap3A_41], %swap3A_44 {strides = array<i32>} : memref<128x128xf32, #tpu.memory_space<vmem>>, vector<1x16xf32>,
      %broadcast_in_dim3A_45 = arith.constant 0.000000e+00 : f32
      %broadcast_in_dim3A_46 = vector.broadcast %broadcast_in_dim3A_45 : f32 to vector<16xf32>
      %swap3A_47 = arith.index_cast %scan3A_39 : i32 to index
      %swap3A_48 = arith.constant 16 : index
      %swap3A_49 = tpu.vector_load %arg14[%swap3A_47, %swap3A_48] {strides = array<i32>} : memref<128x128xf32, #tpu.memory_space<vmem>>, vector<1x16xf32>,
      %swap3A_50 = vector.shape_cast %swap3A_49 : vector<1x16xf32> to vector<16xf32>
      %swap3A_51 = vector.shape_cast %broadcast_in_dim3A_46 : vector<16xf32> to vector<1x16xf32>
      tpu.vector_store %arg14[%swap3A_47, %swap3A_48], %swap3A_51 {strides = array<i32>} : memref<128x128xf32, #tpu.memory_space<vmem>>, vector<1x16xf32>,
      %broadcast_in_dim3A_52 = arith.constant 0.000000e+00 : f32
      %broadcast_in_dim3A_53 = vector.broadcast %broadcast_in_dim3A_52 : f32 to vector<16xf32>
      %swap3A_54 = arith.index_cast %scan3A_39 : i32 to index
      %swap3A_55 = arith.constant 32 : index
      %swap3A_56 = tpu.vector_load %arg14[%swap3A_54, %swap3A_55] {strides = array<i32>} : memref<128x128xf32, #tpu.memory_space<vmem>>, vector<1x16xf32>,
      %swap3A_57 = vector.shape_cast %swap3A_56 : vector<1x16xf32> to vector<16xf32>
      %swap3A_58 = vector.shape_cast %broadcast_in_dim3A_53 : vector<16xf32> to vector<1x16xf32>
      tpu.vector_store %arg14[%swap3A_54, %swap3A_55], %swap3A_58 {strides = array<i32>} : memref<128x128xf32, #tpu.memory_space<vmem>>, vector<1x16xf32>,
      %broadcast_in_dim3A_59 = arith.constant 0.000000e+00 : f32
      %broadcast_in_dim3A_60 = vector.broadcast %broadcast_in_dim3A_59 : f32 to vector<16xf32>
      %swap3A_61 = arith.index_cast %scan3A_39 : i32 to index
      %swap3A_62 = arith.constant 48 : index
      %swap3A_63 = tpu.vector_load %arg14[%swap3A_61, %swap3A_62] {strides = array<i32>} : memref<128x128xf32, #tpu.memory_space<vmem>>, vector<1x16xf32>,
      %swap3A_64 = vector.shape_cast %swap3A_63 : vector<1x16xf32> to vector<16xf32>
      %swap3A_65 = vector.shape_cast %broadcast_in_dim3A_60 : vector<16xf32> to vector<1x16xf32>
      tpu.vector_store %arg14[%swap3A_61, %swap3A_62], %swap3A_65 {strides = array<i32>} : memref<128x128xf32, #tpu.memory_space<vmem>>, vector<1x16xf32>,
      %broadcast_in_dim3A_66 = arith.constant 0.000000e+00 : f32
      %broadcast_in_dim3A_67 = vector.broadcast %broadcast_in_dim3A_66 : f32 to vector<16xf32>
      %swap3A_68 = arith.index_cast %scan3A_39 : i32 to index
      %swap3A_69 = arith.constant 64 : index
      %swap3A_70 = tpu.vector_load %arg14[%swap3A_68, %swap3A_69] {strides = array<i32>} : memref<128x128xf32, #tpu.memory_space<vmem>>, vector<1x16xf32>,
      %swap3A_71 = vector.shape_cast %swap3A_70 : vector<1x16xf32> to vector<16xf32>
      %swap3A_72 = vector.shape_cast %broadcast_in_dim3A_67 : vector<16xf32> to vector<1x16xf32>
      tpu.vector_store %arg14[%swap3A_68, %swap3A_69], %swap3A_72 {strides = array<i32>} : memref<128x128xf32, #tpu.memory_space<vmem>>, vector<1x16xf32>,
      %broadcast_in_dim3A_73 = arith.constant 0.000000e+00 : f32
      %broadcast_in_dim3A_74 = vector.broadcast %broadcast_in_dim3A_73 : f32 to vector<16xf32>
      %swap3A_75 = arith.index_cast %scan3A_39 : i32 to index
      %swap3A_76 = arith.constant 80 : index
      %swap3A_77 = tpu.vector_load %arg14[%swap3A_75, %swap3A_76] {strides = array<i32>} : memref<128x128xf32, #tpu.memory_space<vmem>>, vector<1x16xf32>,
      %swap3A_78 = vector.shape_cast %swap3A_77 : vector<1x16xf32> to vector<16xf32>
      %swap3A_79 = vector.shape_cast %broadcast_in_dim3A_74 : vector<16xf32> to vector<1x16xf32>
      tpu.vector_store %arg14[%swap3A_75, %swap3A_76], %swap3A_79 {strides = array<i32>} : memref<128x128xf32, #tpu.memory_space<vmem>>, vector<1x16xf32>,
      %broadcast_in_dim3A_80 = arith.constant 0.000000e+00 : f32
      %broadcast_in_dim3A_81 = vector.broadcast %broadcast_in_dim3A_80 : f32 to vector<16xf32>
      %swap3A_82 = arith.index_cast %scan3A_39 : i32 to index
      %swap3A_83 = arith.constant 96 : index
      %swap3A_84 = tpu.vector_load %arg14[%swap3A_82, %swap3A_83] {strides = array<i32>} : memref<128x128xf32, #tpu.memory_space<vmem>>, vector<1x16xf32>,
      %swap3A_85 = vector.shape_cast %swap3A_84 : vector<1x16xf32> to vector<16xf32>
      %swap3A_86 = vector.shape_cast %broadcast_in_dim3A_81 : vector<16xf32> to vector<1x16xf32>
      tpu.vector_store %arg14[%swap3A_82, %swap3A_83], %swap3A_86 {strides = array<i32>} : memref<128x128xf32, #tpu.memory_space<vmem>>, vector<1x16xf32>,
      %broadcast_in_dim3A_87 = arith.constant 0.000000e+00 : f32
      %broadcast_in_dim3A_88 = vector.broadcast %broadcast_in_dim3A_87 : f32 to vector<16xf32>
      %swap3A_89 = arith.index_cast %scan3A_39 : i32 to index
      %swap3A_90 = arith.constant 112 : index
      %swap3A_91 = tpu.vector_load %arg14[%swap3A_89, %swap3A_90] {strides = array<i32>} : memref<128x128xf32, #tpu.memory_space<vmem>>, vector<1x16xf32>,
      %swap3A_92 = vector.shape_cast %swap3A_91 : vector<1x16xf32> to vector<16xf32>
      %swap3A_93 = vector.shape_cast %broadcast_in_dim3A_88 : vector<16xf32> to vector<1x16xf32>
      tpu.vector_store %arg14[%swap3A_89, %swap3A_90], %swap3A_93 {strides = array<i32>} : memref<128x128xf32, #tpu.memory_space<vmem>>, vector<1x16xf32>,
    }
    %scan3A_4 = arith.constant 128 : i32
    %mul3A = arith.constant 328 : i32
    %mul3A_5 = arith.muli %arg1, %mul3A : i32
    %add3A = arith.constant 0 : i32
    %add3A_6 = arith.addi %mul3A_5, %add3A : i32
    "tpu.region"() ({
      %run_scoped3A = tpu.sem_alloc : memref<!tpu.dma_semaphore, #tpu.memory_space<semaphore_mem>>
      %dma_start3A = arith.constant 0 : i32
      %dma_start3A_39 = tpu.memref_slice %arg16[%add3A_6, %dma_start3A] : memref<5248x128xf32, #tpu.memory_space<vmem_shared>> -> memref<128x128xf32, #tpu.memory_space<vmem_shared>>
      %dma_start3A_40 = arith.constant 0 : i32
      %dma_start3A_41 = tpu.memref_slice %arg16[%add3A_6, %dma_start3A_40] : memref<5248x128xf32, #tpu.memory_space<vmem_shared>> -> memref<128x128xf32, #tpu.memory_space<vmem_shared>>
      tpu.enqueue_dma source(%arg14 : memref<128x128xf32, #tpu.memory_space<vmem>>) target(%dma_start3A_41 : memref<128x128xf32, #tpu.memory_space<vmem_shared>>) target_semaphore(%run_scoped3A : memref<!tpu.dma_semaphore, #tpu.memory_space<semaphore_mem>>)
      %dma_wait3A = arith.constant 0 : i32
      %dma_wait3A_42 = tpu.memref_slice %arg16[%add3A_6, %dma_wait3A] : memref<5248x128xf32, #tpu.memory_space<vmem_shared>> -> memref<128x128xf32, #tpu.memory_space<vmem_shared>>
      %dma_wait3A_43 = arith.constant 0 : i32
      %dma_wait3A_44 = tpu.memref_slice %arg16[%add3A_6, %dma_wait3A_43] : memref<5248x128xf32, #tpu.memory_space<vmem_shared>> -> memref<128x128xf32, #tpu.memory_space<vmem_shared>>
      tpu.wait_dma2 semaphore(%run_scoped3A : memref<!tpu.dma_semaphore, #tpu.memory_space<semaphore_mem>>) src(%arg14 : memref<128x128xf32, #tpu.memory_space<vmem>>) dst(%dma_wait3A_44 : memref<128x128xf32, #tpu.memory_space<vmem_shared>>)
      tpu.yield
    }) : () -> ()
    %mul3A_7 = arith.constant 328 : i32
    %mul3A_8 = arith.muli %arg1, %mul3A_7 : i32
    %add3A_9 = arith.constant 128 : i32
    %add3A_10 = arith.addi %mul3A_8, %add3A_9 : i32
    "tpu.region"() ({
      %run_scoped3A = tpu.sem_alloc : memref<!tpu.dma_semaphore, #tpu.memory_space<semaphore_mem>>
      %dma_start3A = arith.constant 0 : i32
      %dma_start3A_39 = tpu.memref_slice %arg16[%add3A_10, %dma_start3A] : memref<5248x128xf32, #tpu.memory_space<vmem_shared>> -> memref<128x128xf32, #tpu.memory_space<vmem_shared>>
      %dma_start3A_40 = arith.constant 0 : i32
      %dma_start3A_41 = tpu.memref_slice %arg16[%add3A_10, %dma_start3A_40] : memref<5248x128xf32, #tpu.memory_space<vmem_shared>> -> memref<128x128xf32, #tpu.memory_space<vmem_shared>>
      tpu.enqueue_dma source(%arg14 : memref<128x128xf32, #tpu.memory_space<vmem>>) target(%dma_start3A_41 : memref<128x128xf32, #tpu.memory_space<vmem_shared>>) target_semaphore(%run_scoped3A : memref<!tpu.dma_semaphore, #tpu.memory_space<semaphore_mem>>)
      %dma_wait3A = arith.constant 0 : i32
      %dma_wait3A_42 = tpu.memref_slice %arg16[%add3A_10, %dma_wait3A] : memref<5248x128xf32, #tpu.memory_space<vmem_shared>> -> memref<128x128xf32, #tpu.memory_space<vmem_shared>>
      %dma_wait3A_43 = arith.constant 0 : i32
      %dma_wait3A_44 = tpu.memref_slice %arg16[%add3A_10, %dma_wait3A_43] : memref<5248x128xf32, #tpu.memory_space<vmem_shared>> -> memref<128x128xf32, #tpu.memory_space<vmem_shared>>
      tpu.wait_dma2 semaphore(%run_scoped3A : memref<!tpu.dma_semaphore, #tpu.memory_space<semaphore_mem>>) src(%arg14 : memref<128x128xf32, #tpu.memory_space<vmem>>) dst(%dma_wait3A_44 : memref<128x128xf32, #tpu.memory_space<vmem_shared>>)
      tpu.yield
    }) : () -> ()
    %mul3A_11 = arith.constant 328 : i32
    %mul3A_12 = arith.muli %arg1, %mul3A_11 : i32
    %add3A_13 = arith.constant 256 : i32
    %add3A_14 = arith.addi %mul3A_12, %add3A_13 : i32
    "tpu.region"() ({
      %run_scoped3A = tpu.sem_alloc : memref<!tpu.dma_semaphore, #tpu.memory_space<semaphore_mem>>
      %dma_start3A = arith.constant 0 : i32
      %dma_start3A_39 = arith.constant 0 : i32
      %dma_start3A_40 = tpu.memref_slice %arg14[%dma_start3A, %dma_start3A_39] : memref<128x128xf32, #tpu.memory_space<vmem>> -> memref<72x128xf32, #tpu.memory_space<vmem>>
      %dma_start3A_41 = arith.constant 0 : i32
      %dma_start3A_42 = tpu.memref_slice %arg16[%add3A_14, %dma_start3A_41] : memref<5248x128xf32, #tpu.memory_space<vmem_shared>> -> memref<72x128xf32, #tpu.memory_space<vmem_shared>>
      %dma_start3A_43 = arith.constant 0 : i32
      %dma_start3A_44 = tpu.memref_slice %arg16[%add3A_14, %dma_start3A_43] : memref<5248x128xf32, #tpu.memory_space<vmem_shared>> -> memref<72x128xf32, #tpu.memory_space<vmem_shared>>
      %dma_start3A_45 = arith.constant 0 : i32
      %dma_start3A_46 = arith.constant 0 : i32
      %dma_start3A_47 = tpu.memref_slice %arg14[%dma_start3A_45, %dma_start3A_46] : memref<128x128xf32, #tpu.memory_space<vmem>> -> memref<72x128xf32, #tpu.memory_space<vmem>>
      tpu.enqueue_dma source(%dma_start3A_47 : memref<72x128xf32, #tpu.memory_space<vmem>>) target(%dma_start3A_44 : memref<72x128xf32, #tpu.memory_space<vmem_shared>>) target_semaphore(%run_scoped3A : memref<!tpu.dma_semaphore, #tpu.memory_space<semaphore_mem>>)
      %dma_wait3A = arith.constant 0 : i32
      %dma_wait3A_48 = arith.constant 0 : i32
      %dma_wait3A_49 = tpu.memref_slice %arg14[%dma_wait3A, %dma_wait3A_48] : memref<128x128xf32, #tpu.memory_space<vmem>> -> memref<72x128xf32, #tpu.memory_space<vmem>>
      %dma_wait3A_50 = arith.constant 0 : i32
      %dma_wait3A_51 = tpu.memref_slice %arg16[%add3A_14, %dma_wait3A_50] : memref<5248x128xf32, #tpu.memory_space<vmem_shared>> -> memref<72x128xf32, #tpu.memory_space<vmem_shared>>
      %dma_wait3A_52 = arith.constant 0 : i32
      %dma_wait3A_53 = tpu.memref_slice %arg16[%add3A_14, %dma_wait3A_52] : memref<5248x128xf32, #tpu.memory_space<vmem_shared>> -> memref<72x128xf32, #tpu.memory_space<vmem_shared>>
      %dma_wait3A_54 = arith.constant 0 : i32
      %dma_wait3A_55 = arith.constant 0 : i32
      %dma_wait3A_56 = tpu.memref_slice %arg14[%dma_wait3A_54, %dma_wait3A_55] : memref<128x128xf32, #tpu.memory_space<vmem>> -> memref<72x128xf32, #tpu.memory_space<vmem>>
      tpu.wait_dma2 semaphore(%run_scoped3A : memref<!tpu.dma_semaphore, #tpu.memory_space<semaphore_mem>>) src(%dma_wait3A_56 : memref<72x128xf32, #tpu.memory_space<vmem>>) dst(%dma_wait3A_53 : memref<72x128xf32, #tpu.memory_space<vmem_shared>>)
      tpu.yield
    }) : () -> ()
    %mul3A_15 = arith.constant 48 : i32
    %mul3A_16 = arith.muli %arg1, %mul3A_15 : i32
    "tpu.region"() ({
      %run_scoped3A = tpu.sem_alloc : memref<!tpu.dma_semaphore, #tpu.memory_space<semaphore_mem>>
      %dma_start3A = arith.constant 0 : i32
      %dma_start3A_39 = arith.constant 0 : i32
      %dma_start3A_40 = tpu.memref_slice %arg14[%dma_start3A, %dma_start3A_39] : memref<128x128xf32, #tpu.memory_space<vmem>> -> memref<48x128xf32, #tpu.memory_space<vmem>>
      %dma_start3A_41 = arith.constant 0 : i32
      %dma_start3A_42 = tpu.memref_slice %arg17[%mul3A_16, %dma_start3A_41] : memref<768x128xf32, #tpu.memory_space<vmem_shared>> -> memref<48x128xf32, #tpu.memory_space<vmem_shared>>
      %dma_start3A_43 = arith.constant 0 : i32
      %dma_start3A_44 = tpu.memref_slice %arg17[%mul3A_16, %dma_start3A_43] : memref<768x128xf32, #tpu.memory_space<vmem_shared>> -> memref<48x128xf32, #tpu.memory_space<vmem_shared>>
      %dma_start3A_45 = arith.constant 0 : i32
      %dma_start3A_46 = arith.constant 0 : i32
      %dma_start3A_47 = tpu.memref_slice %arg14[%dma_start3A_45, %dma_start3A_46] : memref<128x128xf32, #tpu.memory_space<vmem>> -> memref<48x128xf32, #tpu.memory_space<vmem>>
      tpu.enqueue_dma source(%dma_start3A_47 : memref<48x128xf32, #tpu.memory_space<vmem>>) target(%dma_start3A_44 : memref<48x128xf32, #tpu.memory_space<vmem_shared>>) target_semaphore(%run_scoped3A : memref<!tpu.dma_semaphore, #tpu.memory_space<semaphore_mem>>)
      %dma_wait3A = arith.constant 0 : i32
      %dma_wait3A_48 = arith.constant 0 : i32
      %dma_wait3A_49 = tpu.memref_slice %arg14[%dma_wait3A, %dma_wait3A_48] : memref<128x128xf32, #tpu.memory_space<vmem>> -> memref<48x128xf32, #tpu.memory_space<vmem>>
      %dma_wait3A_50 = arith.constant 0 : i32
      %dma_wait3A_51 = tpu.memref_slice %arg17[%mul3A_16, %dma_wait3A_50] : memref<768x128xf32, #tpu.memory_space<vmem_shared>> -> memref<48x128xf32, #tpu.memory_space<vmem_shared>>
      %dma_wait3A_52 = arith.constant 0 : i32
      %dma_wait3A_53 = tpu.memref_slice %arg17[%mul3A_16, %dma_wait3A_52] : memref<768x128xf32, #tpu.memory_space<vmem_shared>> -> memref<48x128xf32, #tpu.memory_space<vmem_shared>>
      %dma_wait3A_54 = arith.constant 0 : i32
      %dma_wait3A_55 = arith.constant 0 : i32
      %dma_wait3A_56 = tpu.memref_slice %arg14[%dma_wait3A_54, %dma_wait3A_55] : memref<128x128xf32, #tpu.memory_space<vmem>> -> memref<48x128xf32, #tpu.memory_space<vmem>>
      tpu.wait_dma2 semaphore(%run_scoped3A : memref<!tpu.dma_semaphore, #tpu.memory_space<semaphore_mem>>) src(%dma_wait3A_56 : memref<48x128xf32, #tpu.memory_space<vmem>>) dst(%dma_wait3A_53 : memref<48x128xf32, #tpu.memory_space<vmem_shared>>)
      tpu.yield
    }) : () -> ()
    %barrier3A = arith.constant 0 : index
    tpu.barrier barrier_id(%barrier3A)
    %scan3A_17 = arith.constant 0 : i32
    %scan3A_18 = arith.constant 0 : i32
    %scan3A_19 = arith.constant 157 : i32
    %scan3A_20 = arith.addi %scan3A_18, %scan3A_19 : i32
    %scan3A_21 = arith.constant 1 : i32
    scf.for %scan3A_39 = %scan3A_18 to %scan3A_20 step %scan3A_21  : i32 {
      %mul3A_40 = arith.constant 16 : i32
      %mul3A_41 = arith.muli %scan3A_39, %mul3A_40 : i32
      %add3A_42 = arith.addi %arg1, %mul3A_41 : i32
      %lt3A = arith.constant 2500 : i32
      %lt3A_43 = arith.cmpi slt, %add3A_42, %lt3A : i32
      %convert_element_type3A = arith.extui %lt3A_43 : i1 to i32
      %cond3A = arith.constant 0 : i32
      %cond3A_44 = arith.cmpi ne, %convert_element_type3A, %cond3A : i32
      scf.if %cond3A_44 {
        %mul3A_45 = arith.constant 128 : i32
        %mul3A_46 = arith.muli %add3A_42, %mul3A_45 : i32
        %dma_start3A = tpu.memref_slice %arg2[%mul3A_46] : memref<320000xi32, #tpu.memory_space<hbm>> -> memref<128xi32, #tpu.memory_space<hbm>>
        %dma_start3A_47 = tpu.memref_slice %arg2[%mul3A_46] : memref<320000xi32, #tpu.memory_space<hbm>> -> memref<128xi32, #tpu.memory_space<hbm>>
        tpu.enqueue_dma source(%dma_start3A_47 : memref<128xi32, #tpu.memory_space<hbm>>) target(%arg8 : memref<128xi32, #tpu.memory_space<vmem>>) target_semaphore(%arg18 : memref<!tpu.dma_semaphore, #tpu.memory_space<semaphore_mem>>)
        %dma_start3A_48 = tpu.memref_slice %arg3[%mul3A_46] : memref<320000xi32, #tpu.memory_space<hbm>> -> memref<128xi32, #tpu.memory_space<hbm>>
        %dma_start3A_49 = tpu.memref_slice %arg3[%mul3A_46] : memref<320000xi32, #tpu.memory_space<hbm>> -> memref<128xi32, #tpu.memory_space<hbm>>
        tpu.enqueue_dma source(%dma_start3A_49 : memref<128xi32, #tpu.memory_space<hbm>>) target(%arg9 : memref<128xi32, #tpu.memory_space<vmem>>) target_semaphore(%arg18 : memref<!tpu.dma_semaphore, #tpu.memory_space<semaphore_mem>>)
        %dma_wait3A = tpu.memref_slice %arg2[%mul3A_46] : memref<320000xi32, #tpu.memory_space<hbm>> -> memref<128xi32, #tpu.memory_space<hbm>>
        %dma_wait3A_50 = tpu.memref_slice %arg2[%mul3A_46] : memref<320000xi32, #tpu.memory_space<hbm>> -> memref<128xi32, #tpu.memory_space<hbm>>
        tpu.wait_dma2 semaphore(%arg18 : memref<!tpu.dma_semaphore, #tpu.memory_space<semaphore_mem>>) src(%dma_wait3A_50 : memref<128xi32, #tpu.memory_space<hbm>>) dst(%arg8 : memref<128xi32, #tpu.memory_space<vmem>>)
        %dma_wait3A_51 = tpu.memref_slice %arg3[%mul3A_46] : memref<320000xi32, #tpu.memory_space<hbm>> -> memref<128xi32, #tpu.memory_space<hbm>>
        %dma_wait3A_52 = tpu.memref_slice %arg3[%mul3A_46] : memref<320000xi32, #tpu.memory_space<hbm>> -> memref<128xi32, #tpu.memory_space<hbm>>
        tpu.wait_dma2 semaphore(%arg18 : memref<!tpu.dma_semaphore, #tpu.memory_space<semaphore_mem>>) src(%dma_wait3A_52 : memref<128xi32, #tpu.memory_space<hbm>>) dst(%arg9 : memref<128xi32, #tpu.memory_space<vmem>>)
        %dma_start3A_53 = arith.constant 0 : i32
        %dma_start3A_54 = arith.constant 0 : i32
        %dma_start3A_55 = tpu.memref_slice %arg4[%dma_start3A_53, %dma_start3A_54] : memref<10000x128xf32, #tpu.memory_space<hbm>> -> memref<10000x128xf32, #tpu.memory_space<hbm>>
        tpu.enqueue_indirect_dma source(%dma_start3A_55 : memref<10000x128xf32, #tpu.memory_space<hbm>>) target(%arg12 : memref<128x128xf32, #tpu.memory_space<vmem>>) offsets(%arg8 : memref<128xi32, #tpu.memory_space<vmem>>) semaphore(%arg18 : memref<!tpu.dma_semaphore, #tpu.memory_space<semaphore_mem>>)
        %dma_start3A_56 = arith.constant 0 : i32
        %dma_start3A_57 = arith.constant 0 : i32
        %dma_start3A_58 = tpu.memref_slice %arg4[%dma_start3A_56, %dma_start3A_57] : memref<10000x128xf32, #tpu.memory_space<hbm>> -> memref<10000x128xf32, #tpu.memory_space<hbm>>
        tpu.enqueue_indirect_dma source(%dma_start3A_58 : memref<10000x128xf32, #tpu.memory_space<hbm>>) target(%arg13 : memref<128x128xf32, #tpu.memory_space<vmem>>) offsets(%arg9 : memref<128xi32, #tpu.memory_space<vmem>>) semaphore(%arg18 : memref<!tpu.dma_semaphore, #tpu.memory_space<semaphore_mem>>)
        %dma_start3A_59 = arith.constant 0 : i32
        %dma_start3A_60 = arith.constant 0 : i32
        %dma_start3A_61 = tpu.memref_slice %arg5[%dma_start3A_59, %dma_start3A_60] : memref<10000x128xf32, #tpu.memory_space<hbm>> -> memref<10000x128xf32, #tpu.memory_space<hbm>>
        tpu.enqueue_indirect_dma source(%dma_start3A_61 : memref<10000x128xf32, #tpu.memory_space<hbm>>) target(%arg14 : memref<128x128xf32, #tpu.memory_space<vmem>>) offsets(%arg8 : memref<128xi32, #tpu.memory_space<vmem>>) semaphore(%arg18 : memref<!tpu.dma_semaphore, #tpu.memory_space<semaphore_mem>>)
        %scan3A_62 = arith.constant 0 : i32
        %scan3A_63 = arith.constant 0 : i32
        %scan3A_64 = arith.constant 8 : i32
        %scan3A_65 = arith.addi %scan3A_63, %scan3A_64 : i32
        %scan3A_66 = arith.constant 2 : i32
        scf.for %scan3A_136 = %scan3A_63 to %scan3A_65 step %scan3A_66  : i32 {
          %mul3A_137 = arith.constant 16 : i32
          %mul3A_138 = arith.muli %scan3A_136, %mul3A_137 : i32
          %get3A = arith.index_cast %mul3A_138 : i32 to index
          %get3A_139 = tpu.vector_load %arg9[%get3A] {strides = array<i32>} : memref<128xi32, #tpu.memory_space<vmem>>, vector<16xi32>,
          %get3A_140 = vector.shape_cast %get3A_139 : vector<16xi32> to vector<16xi32>
          %mul3A_141 = arith.constant 5000 : i32
          %mul3A_142 = arith.muli %arg0, %mul3A_141 : i32
          %sub3A_143 = vector.broadcast %mul3A_142 : i32 to vector<16xi32>
          %sub3A_144 = arith.subi %get3A_140, %sub3A_143 : vector<16xi32>
          %add3A_145 = arith.constant 1 : i32
          %add3A_146 = vector.broadcast %add3A_145 : i32 to vector<16xi32>
          %add3A_147 = arith.addi %sub3A_144, %add3A_146 : vector<16xi32>
          %jit3A_148 = arith.constant 0 : i32
          %jit3A_149 = arith.constant 1 : i32
          %max3A_150 = vector.broadcast %jit3A_148 : i32 to vector<16xi32>
          %max3A_151 = arith.maxsi %max3A_150, %add3A_147 : vector<16xi32>
          %min3A_152 = vector.broadcast %jit3A_149 : i32 to vector<16xi32>
          %min3A_153 = arith.minsi %min3A_152, %max3A_151 : vector<16xi32>
          %sub3A_154 = arith.constant 5000 : i32
          %sub3A_155 = vector.broadcast %sub3A_154 : i32 to vector<16xi32>
          %sub3A_156 = arith.subi %sub3A_155, %sub3A_144 : vector<16xi32>
          %jit3A_157 = arith.constant 0 : i32
          %jit3A_158 = arith.constant 1 : i32
          %max3A_159 = vector.broadcast %jit3A_157 : i32 to vector<16xi32>
          %max3A_160 = arith.maxsi %max3A_159, %sub3A_156 : vector<16xi32>
          %min3A_161 = vector.broadcast %jit3A_158 : i32 to vector<16xi32>
          %min3A_162 = arith.minsi %min3A_161, %max3A_160 : vector<16xi32>
          %mul3A_163 = arith.muli %min3A_153, %min3A_162 : vector<16xi32>
          %sub3A_164 = arith.constant 1 : i32
          %sub3A_165 = vector.broadcast %sub3A_164 : i32 to vector<16xi32>
          %sub3A_166 = arith.subi %sub3A_165, %mul3A_163 : vector<16xi32>
          %mul3A_167 = arith.muli %mul3A_163, %sub3A_144 : vector<16xi32>
          %mul3A_168 = arith.constant 5120 : i32
          %mul3A_169 = vector.broadcast %mul3A_168 : i32 to vector<16xi32>
          %mul3A_170 = arith.muli %sub3A_166, %mul3A_169 : vector<16xi32>
          %add3A_171 = arith.addi %mul3A_167, %mul3A_170 : vector<16xi32>
          %mul3A_172 = arith.constant 16 : i32
          %mul3A_173 = arith.muli %scan3A_136, %mul3A_172 : i32
          %swap3A = arith.index_cast %mul3A_173 : i32 to index
          %swap3A_174 = tpu.vector_load %arg10[%swap3A] {strides = array<i32>} : memref<128xi32, #tpu.memory_space<vmem>>, vector<16xi32>,
          %swap3A_175 = vector.shape_cast %swap3A_174 : vector<16xi32> to vector<16xi32>
          %swap3A_176 = vector.shape_cast %add3A_171 : vector<16xi32> to vector<16xi32>
          tpu.vector_store %arg10[%swap3A], %swap3A_176 {strides = array<i32>} : memref<128xi32, #tpu.memory_space<vmem>>, vector<16xi32>,
          %shift_right_logical3A = arith.constant 3 : i32
          %shift_right_logical3A_177 = vector.broadcast %shift_right_logical3A : i32 to vector<16xi32>
          %shift_right_logical3A_178 = arith.shrui %sub3A_144, %shift_right_logical3A_177 : vector<16xi32>
          %mul3A_179 = arith.muli %mul3A_163, %shift_right_logical3A_178 : vector<16xi32>
          %mul3A_180 = arith.constant 640 : i32
          %mul3A_181 = vector.broadcast %mul3A_180 : i32 to vector<16xi32>
          %mul3A_182 = arith.muli %sub3A_166, %mul3A_181 : vector<16xi32>
          %add3A_183 = arith.addi %mul3A_179, %mul3A_182 : vector<16xi32>
          %mul3A_184 = arith.constant 16 : i32
          %mul3A_185 = arith.muli %scan3A_136, %mul3A_184 : i32
          %swap3A_186 = arith.index_cast %mul3A_185 : i32 to index
          %swap3A_187 = tpu.vector_load %arg11[%swap3A_186] {strides = array<i32>} : memref<128xi32, #tpu.memory_space<vmem>>, vector<16xi32>,
          %swap3A_188 = vector.shape_cast %swap3A_187 : vector<16xi32> to vector<16xi32>
          %swap3A_189 = vector.shape_cast %add3A_183 : vector<16xi32> to vector<16xi32>
          tpu.vector_store %arg11[%swap3A_186], %swap3A_189 {strides = array<i32>} : memref<128xi32, #tpu.memory_space<vmem>>, vector<16xi32>,
          %scan3A_190 = arith.constant 1 : i32
          %scan3A_191 = arith.addi %scan3A_136, %scan3A_190 : i32
          %mul3A_192 = arith.constant 16 : i32
          %mul3A_193 = arith.muli %scan3A_191, %mul3A_192 : i32
          %get3A_194 = arith.index_cast %mul3A_193 : i32 to index
          %get3A_195 = tpu.vector_load %arg9[%get3A_194] {strides = array<i32>} : memref<128xi32, #tpu.memory_space<vmem>>, vector<16xi32>,
          %get3A_196 = vector.shape_cast %get3A_195 : vector<16xi32> to vector<16xi32>
          %mul3A_197 = arith.constant 5000 : i32
          %mul3A_198 = arith.muli %arg0, %mul3A_197 : i32
          %sub3A_199 = vector.broadcast %mul3A_198 : i32 to vector<16xi32>
          %sub3A_200 = arith.subi %get3A_196, %sub3A_199 : vector<16xi32>
          %add3A_201 = arith.constant 1 : i32
          %add3A_202 = vector.broadcast %add3A_201 : i32 to vector<16xi32>
          %add3A_203 = arith.addi %sub3A_200, %add3A_202 : vector<16xi32>
          %jit3A_204 = arith.constant 0 : i32
          %jit3A_205 = arith.constant 1 : i32
          %max3A_206 = vector.broadcast %jit3A_204 : i32 to vector<16xi32>
          %max3A_207 = arith.maxsi %max3A_206, %add3A_203 : vector<16xi32>
          %min3A_208 = vector.broadcast %jit3A_205 : i32 to vector<16xi32>
          %min3A_209 = arith.minsi %min3A_208, %max3A_207 : vector<16xi32>
          %sub3A_210 = arith.constant 5000 : i32
          %sub3A_211 = vector.broadcast %sub3A_210 : i32 to vector<16xi32>
          %sub3A_212 = arith.subi %sub3A_211, %sub3A_200 : vector<16xi32>
          %jit3A_213 = arith.constant 0 : i32
          %jit3A_214 = arith.constant 1 : i32
          %max3A_215 = vector.broadcast %jit3A_213 : i32 to vector<16xi32>
          %max3A_216 = arith.maxsi %max3A_215, %sub3A_212 : vector<16xi32>
          %min3A_217 = vector.broadcast %jit3A_214 : i32 to vector<16xi32>
          %min3A_218 = arith.minsi %min3A_217, %max3A_216 : vector<16xi32>
          %mul3A_219 = arith.muli %min3A_209, %min3A_218 : vector<16xi32>
          %sub3A_220 = arith.constant 1 : i32
          %sub3A_221 = vector.broadcast %sub3A_220 : i32 to vector<16xi32>
          %sub3A_222 = arith.subi %sub3A_221, %mul3A_219 : vector<16xi32>
          %mul3A_223 = arith.muli %mul3A_219, %sub3A_200 : vector<16xi32>
          %mul3A_224 = arith.constant 5120 : i32
          %mul3A_225 = vector.broadcast %mul3A_224 : i32 to vector<16xi32>
          %mul3A_226 = arith.muli %sub3A_222, %mul3A_225 : vector<16xi32>
          %add3A_227 = arith.addi %mul3A_223, %mul3A_226 : vector<16xi32>
          %mul3A_228 = arith.constant 16 : i32
          %mul3A_229 = arith.muli %scan3A_191, %mul3A_228 : i32
          %swap3A_230 = arith.index_cast %mul3A_229 : i32 to index
          %swap3A_231 = tpu.vector_load %arg10[%swap3A_230] {strides = array<i32>} : memref<128xi32, #tpu.memory_space<vmem>>, vector<16xi32>,
          %swap3A_232 = vector.shape_cast %swap3A_231 : vector<16xi32> to vector<16xi32>
          %swap3A_233 = vector.shape_cast %add3A_227 : vector<16xi32> to vector<16xi32>
          tpu.vector_store %arg10[%swap3A_230], %swap3A_233 {strides = array<i32>} : memref<128xi32, #tpu.memory_space<vmem>>, vector<16xi32>,
          %shift_right_logical3A_234 = arith.constant 3 : i32
          %shift_right_logical3A_235 = vector.broadcast %shift_right_logical3A_234 : i32 to vector<16xi32>
          %shift_right_logical3A_236 = arith.shrui %sub3A_200, %shift_right_logical3A_235 : vector<16xi32>
          %mul3A_237 = arith.muli %mul3A_219, %shift_right_logical3A_236 : vector<16xi32>
          %mul3A_238 = arith.constant 640 : i32
          %mul3A_239 = vector.broadcast %mul3A_238 : i32 to vector<16xi32>
          %mul3A_240 = arith.muli %sub3A_222, %mul3A_239 : vector<16xi32>
          %add3A_241 = arith.addi %mul3A_237, %mul3A_240 : vector<16xi32>
          %mul3A_242 = arith.constant 16 : i32
          %mul3A_243 = arith.muli %scan3A_191, %mul3A_242 : i32
          %swap3A_244 = arith.index_cast %mul3A_243 : i32 to index
          %swap3A_245 = tpu.vector_load %arg11[%swap3A_244] {strides = array<i32>} : memref<128xi32, #tpu.memory_space<vmem>>, vector<16xi32>,
          %swap3A_246 = vector.shape_cast %swap3A_245 : vector<16xi32> to vector<16xi32>
          %swap3A_247 = vector.shape_cast %add3A_241 : vector<16xi32> to vector<16xi32>
          tpu.vector_store %arg11[%swap3A_244], %swap3A_247 {strides = array<i32>} : memref<128xi32, #tpu.memory_space<vmem>>, vector<16xi32>,
        }
        %scan3A_67 = arith.constant 8 : i32
        %dma_wait3A_68 = arith.constant 0 : i32
        %dma_wait3A_69 = arith.constant 0 : i32
        %dma_wait3A_70 = tpu.memref_slice %arg4[%dma_wait3A_68, %dma_wait3A_69] : memref<10000x128xf32, #tpu.memory_space<hbm>> -> memref<10000x128xf32, #tpu.memory_space<hbm>>
        tpu.wait_indirect_dma semaphore(%arg18 : memref<!tpu.dma_semaphore, #tpu.memory_space<semaphore_mem>>) src(%dma_wait3A_70 : memref<10000x128xf32, #tpu.memory_space<hbm>>) dst(%arg12 : memref<128x128xf32, #tpu.memory_space<vmem>>)
        %dma_wait3A_71 = arith.constant 0 : i32
        %dma_wait3A_72 = arith.constant 0 : i32
        %dma_wait3A_73 = tpu.memref_slice %arg4[%dma_wait3A_71, %dma_wait3A_72] : memref<10000x128xf32, #tpu.memory_space<hbm>> -> memref<10000x128xf32, #tpu.memory_space<hbm>>
        tpu.wait_indirect_dma semaphore(%arg18 : memref<!tpu.dma_semaphore, #tpu.memory_space<semaphore_mem>>) src(%dma_wait3A_73 : memref<10000x128xf32, #tpu.memory_space<hbm>>) dst(%arg13 : memref<128x128xf32, #tpu.memory_space<vmem>>)
        %dma_wait3A_74 = arith.constant 0 : i32
        %dma_wait3A_75 = arith.constant 0 : i32
        %dma_wait3A_76 = tpu.memref_slice %arg5[%dma_wait3A_74, %dma_wait3A_75] : memref<10000x128xf32, #tpu.memory_space<hbm>> -> memref<10000x128xf32, #tpu.memory_space<hbm>>
        tpu.wait_indirect_dma semaphore(%arg18 : memref<!tpu.dma_semaphore, #tpu.memory_space<semaphore_mem>>) src(%dma_wait3A_76 : memref<10000x128xf32, #tpu.memory_space<hbm>>) dst(%arg14 : memref<128x128xf32, #tpu.memory_space<vmem>>)
        %iota3A = tpu.iota {dimensions = array<i32: 0>} : vector<16xi32>
        %add3A_77 = arith.constant 8 : i32
        %add3A_78 = vector.broadcast %add3A_77 : i32 to vector<16xi32>
        %add3A_79 = arith.addi %iota3A, %add3A_78 : vector<16xi32>
        %jit3A = arith.constant 16 : i32
        %eq3A = arith.constant 0 : i32
        %eq3A_80 = arith.cmpi eq, %jit3A, %eq3A : i32
        %jit3A_81 = arith.constant 1 : i32
        %select_n3A = arith.select %eq3A_80, %jit3A_81, %jit3A : i32
        %rem3A = vector.broadcast %select_n3A : i32 to vector<16xi32>
        %rem3A_82 = arith.remsi %add3A_79, %rem3A : vector<16xi32>
        %ne3A = arith.constant 0 : i32
        %ne3A_83 = vector.broadcast %ne3A : i32 to vector<16xi32>
        %ne3A_84 = arith.cmpi ne, %rem3A_82, %ne3A_83 : vector<16xi32>
        %lt3A_85 = arith.constant 0 : i32
        %lt3A_86 = vector.broadcast %lt3A_85 : i32 to vector<16xi32>
        %lt3A_87 = arith.cmpi slt, %rem3A_82, %lt3A_86 : vector<16xi32>
        %lt3A_88 = arith.constant 0 : i32
        %lt3A_89 = arith.cmpi slt, %select_n3A, %lt3A_88 : i32
        %ne3A_90 = vector.broadcast %lt3A_89 : i1 to vector<16xi1>
        %ne3A_91 = vector.broadcast %ne3A_90 : vector<16xi1> to vector<16xi1>
        %ne3A_92 = arith.xori %lt3A_87, %ne3A_91 : vector<16xi1>
        %and3A = arith.andi %ne3A_92, %ne3A_84 : vector<16xi1>
        %add3A_93 = vector.broadcast %select_n3A : i32 to vector<16xi32>
        %add3A_94 = arith.addi %rem3A_82, %add3A_93 : vector<16xi32>
        %select_n3A_95 = arith.select %and3A, %add3A_94, %rem3A_82 : vector<16xi1>, vector<16xi32>
        %convert_element_type3A_96 = arith.sitofp %iota3A : vector<16xi32> to vector<16xf32>
        %sub3A = arith.constant 8.000000e+00 : f32
        %sub3A_97 = vector.broadcast %sub3A : f32 to vector<16xf32>
        %sub3A_98 = arith.subf %sub3A_97, %convert_element_type3A_96 : vector<16xf32>
        %jit3A_99 = arith.constant 0.000000e+00 : f32
        %jit3A_100 = arith.constant 1.000000e+00 : f32
        %max3A = vector.broadcast %jit3A_99 : f32 to vector<16xf32>
        %max3A_101 = arith.maximumf %max3A, %sub3A_98 : vector<16xf32>
        %min3A = vector.broadcast %jit3A_100 : f32 to vector<16xf32>
        %min3A_102 = arith.minimumf %min3A, %max3A_101 : vector<16xf32>
        %broadcast_in_dim3A = arith.constant 0 : i32
        %broadcast_in_dim3A_103 = vector.broadcast %broadcast_in_dim3A : i32 to vector<16xi32>
        %broadcast_in_dim3A_104 = arith.constant 1 : i32
        %broadcast_in_dim3A_105 = vector.broadcast %broadcast_in_dim3A_104 : i32 to vector<16xi32>
        %broadcast_in_dim3A_106 = arith.constant 2 : i32
        %broadcast_in_dim3A_107 = vector.broadcast %broadcast_in_dim3A_106 : i32 to vector<16xi32>
        %broadcast_in_dim3A_108 = arith.constant 3 : i32
        %broadcast_in_dim3A_109 = vector.broadcast %broadcast_in_dim3A_108 : i32 to vector<16xi32>
        %broadcast_in_dim3A_110 = arith.constant 4 : i32
        %broadcast_in_dim3A_111 = vector.broadcast %broadcast_in_dim3A_110 : i32 to vector<16xi32>
        %broadcast_in_dim3A_112 = arith.constant 5 : i32
        %broadcast_in_dim3A_113 = vector.broadcast %broadcast_in_dim3A_112 : i32 to vector<16xi32>
        %broadcast_in_dim3A_114 = arith.constant 6 : i32
        %broadcast_in_dim3A_115 = vector.broadcast %broadcast_in_dim3A_114 : i32 to vector<16xi32>
        %broadcast_in_dim3A_116 = arith.constant 7 : i32
        %broadcast_in_dim3A_117 = vector.broadcast %broadcast_in_dim3A_116 : i32 to vector<16xi32>
        %scan3A_118 = arith.constant 0 : i32
        %scan3A_119 = arith.constant 0 : i32
        %scan3A_120 = arith.constant 128 : i32
        %scan3A_121 = arith.addi %scan3A_119, %scan3A_120 : i32
        %scan3A_122 = arith.constant 1 : i32
        scf.for %scan3A_136 = %scan3A_119 to %scan3A_121 step %scan3A_122  : i32 {
          %get3A = arith.index_cast %scan3A_136 : i32 to index
          %get3A_137 = arith.constant 0 : index
          %get3A_138 = tpu.vector_load %arg12[%get3A, %get3A_137] {strides = array<i32>} : memref<128x128xf32, #tpu.memory_space<vmem>>, vector<1x16xf32>,
          %get3A_139 = vector.shape_cast %get3A_138 : vector<1x16xf32> to vector<16xf32>
          %get3A_140 = arith.index_cast %scan3A_136 : i32 to index
          %get3A_141 = arith.constant 0 : index
          %get3A_142 = tpu.vector_load %arg13[%get3A_140, %get3A_141] {strides = array<i32>} : memref<128x128xf32, #tpu.memory_space<vmem>>, vector<1x16xf32>,
          %get3A_143 = vector.shape_cast %get3A_142 : vector<1x16xf32> to vector<16xf32>
          %broadcast_in_dim3A_144 = vector.shape_cast %select_n3A_95 : vector<16xi32> to vector<16x1xi32>
          %gather3A = vector.shape_cast %broadcast_in_dim3A_144 : vector<16x1xi32> to vector<16xi32>
          %gather3A_145 = tpu.dynamic_gather %get3A_143[%gather3A] in [0] : vector<16xf32>, vector<16xi32> -> vector<16xf32>
          %add3A_146 = arith.addf %get3A_139, %gather3A_145 : vector<16xf32>
          %mul3A_147 = arith.constant 0.00999999977 : f32
          %mul3A_148 = vector.broadcast %mul3A_147 : f32 to vector<16xf32>
          %mul3A_149 = arith.mulf %mul3A_148, %add3A_146 : vector<16xf32>
          %max3A_150 = arith.maximumf %add3A_146, %mul3A_149 : vector<16xf32>
          %min3A_151 = arith.constant 5.000000e+01 : f32
          %min3A_152 = vector.broadcast %min3A_151 : f32 to vector<16xf32>
          %min3A_153 = arith.minimumf %max3A_150, %min3A_152 : vector<16xf32>
          %exp3A = math.exp %min3A_153 : vector<16xf32>
          %mul3A_154 = arith.mulf %exp3A, %min3A_102 : vector<16xf32>
          %broadcast_in_dim3A_155 = vector.shape_cast %broadcast_in_dim3A_103 : vector<16xi32> to vector<16x1xi32>
          %gather3A_156 = vector.shape_cast %broadcast_in_dim3A_155 : vector<16x1xi32> to vector<16xi32>
          %gather3A_157 = tpu.dynamic_gather %mul3A_154[%gather3A_156] in [0] : vector<16xf32>, vector<16xi32> -> vector<16xf32>
          %get3A_158 = arith.index_cast %scan3A_136 : i32 to index
          %get3A_159 = arith.constant 0 : index
          %get3A_160 = tpu.vector_load %arg14[%get3A_158, %get3A_159] {strides = array<i32>} : memref<128x128xf32, #tpu.memory_space<vmem>>, vector<1x16xf32>,
          %get3A_161 = vector.shape_cast %get3A_160 : vector<1x16xf32> to vector<16xf32>
          %mul3A_162 = arith.mulf %get3A_161, %gather3A_157 : vector<16xf32>
          %swap3A = arith.index_cast %scan3A_136 : i32 to index
          %swap3A_163 = arith.constant 0 : index
          %swap3A_164 = tpu.vector_load %arg14[%swap3A, %swap3A_163] {strides = array<i32>} : memref<128x128xf32, #tpu.memory_space<vmem>>, vector<1x16xf32>,
          %swap3A_165 = vector.shape_cast %swap3A_164 : vector<1x16xf32> to vector<16xf32>
          %swap3A_166 = vector.shape_cast %mul3A_162 : vector<16xf32> to vector<1x16xf32>
          tpu.vector_store %arg14[%swap3A, %swap3A_163], %swap3A_166 {strides = array<i32>} : memref<128x128xf32, #tpu.memory_space<vmem>>, vector<1x16xf32>,
          %broadcast_in_dim3A_167 = vector.shape_cast %broadcast_in_dim3A_105 : vector<16xi32> to vector<16x1xi32>
          %gather3A_168 = vector.shape_cast %broadcast_in_dim3A_167 : vector<16x1xi32> to vector<16xi32>
          %gather3A_169 = tpu.dynamic_gather %mul3A_154[%gather3A_168] in [0] : vector<16xf32>, vector<16xi32> -> vector<16xf32>
          %get3A_170 = arith.index_cast %scan3A_136 : i32 to index
          %get3A_171 = arith.constant 16 : index
          %get3A_172 = tpu.vector_load %arg14[%get3A_170, %get3A_171] {strides = array<i32>} : memref<128x128xf32, #tpu.memory_space<vmem>>, vector<1x16xf32>,
          %get3A_173 = vector.shape_cast %get3A_172 : vector<1x16xf32> to vector<16xf32>
          %mul3A_174 = arith.mulf %get3A_173, %gather3A_169 : vector<16xf32>
          %swap3A_175 = arith.index_cast %scan3A_136 : i32 to index
          %swap3A_176 = arith.constant 16 : index
          %swap3A_177 = tpu.vector_load %arg14[%swap3A_175, %swap3A_176] {strides = array<i32>} : memref<128x128xf32, #tpu.memory_space<vmem>>, vector<1x16xf32>,
          %swap3A_178 = vector.shape_cast %swap3A_177 : vector<1x16xf32> to vector<16xf32>
          %swap3A_179 = vector.shape_cast %mul3A_174 : vector<16xf32> to vector<1x16xf32>
          tpu.vector_store %arg14[%swap3A_175, %swap3A_176], %swap3A_179 {strides = array<i32>} : memref<128x128xf32, #tpu.memory_space<vmem>>, vector<1x16xf32>,
          %broadcast_in_dim3A_180 = vector.shape_cast %broadcast_in_dim3A_107 : vector<16xi32> to vector<16x1xi32>
          %gather3A_181 = vector.shape_cast %broadcast_in_dim3A_180 : vector<16x1xi32> to vector<16xi32>
          %gather3A_182 = tpu.dynamic_gather %mul3A_154[%gather3A_181] in [0] : vector<16xf32>, vector<16xi32> -> vector<16xf32>
          %get3A_183 = arith.index_cast %scan3A_136 : i32 to index
          %get3A_184 = arith.constant 32 : index
          %get3A_185 = tpu.vector_load %arg14[%get3A_183, %get3A_184] {strides = array<i32>} : memref<128x128xf32, #tpu.memory_space<vmem>>, vector<1x16xf32>,
          %get3A_186 = vector.shape_cast %get3A_185 : vector<1x16xf32> to vector<16xf32>
          %mul3A_187 = arith.mulf %get3A_186, %gather3A_182 : vector<16xf32>
          %swap3A_188 = arith.index_cast %scan3A_136 : i32 to index
          %swap3A_189 = arith.constant 32 : index
          %swap3A_190 = tpu.vector_load %arg14[%swap3A_188, %swap3A_189] {strides = array<i32>} : memref<128x128xf32, #tpu.memory_space<vmem>>, vector<1x16xf32>,
          %swap3A_191 = vector.shape_cast %swap3A_190 : vector<1x16xf32> to vector<16xf32>
          %swap3A_192 = vector.shape_cast %mul3A_187 : vector<16xf32> to vector<1x16xf32>
          tpu.vector_store %arg14[%swap3A_188, %swap3A_189], %swap3A_192 {strides = array<i32>} : memref<128x128xf32, #tpu.memory_space<vmem>>, vector<1x16xf32>,
          %broadcast_in_dim3A_193 = vector.shape_cast %broadcast_in_dim3A_109 : vector<16xi32> to vector<16x1xi32>
          %gather3A_194 = vector.shape_cast %broadcast_in_dim3A_193 : vector<16x1xi32> to vector<16xi32>
          %gather3A_195 = tpu.dynamic_gather %mul3A_154[%gather3A_194] in [0] : vector<16xf32>, vector<16xi32> -> vector<16xf32>
          %get3A_196 = arith.index_cast %scan3A_136 : i32 to index
          %get3A_197 = arith.constant 48 : index
          %get3A_198 = tpu.vector_load %arg14[%get3A_196, %get3A_197] {strides = array<i32>} : memref<128x128xf32, #tpu.memory_space<vmem>>, vector<1x16xf32>,
          %get3A_199 = vector.shape_cast %get3A_198 : vector<1x16xf32> to vector<16xf32>
          %mul3A_200 = arith.mulf %get3A_199, %gather3A_195 : vector<16xf32>
          %swap3A_201 = arith.index_cast %scan3A_136 : i32 to index
          %swap3A_202 = arith.constant 48 : index
          %swap3A_203 = tpu.vector_load %arg14[%swap3A_201, %swap3A_202] {strides = array<i32>} : memref<128x128xf32, #tpu.memory_space<vmem>>, vector<1x16xf32>,
          %swap3A_204 = vector.shape_cast %swap3A_203 : vector<1x16xf32> to vector<16xf32>
          %swap3A_205 = vector.shape_cast %mul3A_200 : vector<16xf32> to vector<1x16xf32>
          tpu.vector_store %arg14[%swap3A_201, %swap3A_202], %swap3A_205 {strides = array<i32>} : memref<128x128xf32, #tpu.memory_space<vmem>>, vector<1x16xf32>,
          %broadcast_in_dim3A_206 = vector.shape_cast %broadcast_in_dim3A_111 : vector<16xi32> to vector<16x1xi32>
          %gather3A_207 = vector.shape_cast %broadcast_in_dim3A_206 : vector<16x1xi32> to vector<16xi32>
          %gather3A_208 = tpu.dynamic_gather %mul3A_154[%gather3A_207] in [0] : vector<16xf32>, vector<16xi32> -> vector<16xf32>
          %get3A_209 = arith.index_cast %scan3A_136 : i32 to index
          %get3A_210 = arith.constant 64 : index
          %get3A_211 = tpu.vector_load %arg14[%get3A_209, %get3A_210] {strides = array<i32>} : memref<128x128xf32, #tpu.memory_space<vmem>>, vector<1x16xf32>,
          %get3A_212 = vector.shape_cast %get3A_211 : vector<1x16xf32> to vector<16xf32>
          %mul3A_213 = arith.mulf %get3A_212, %gather3A_208 : vector<16xf32>
          %swap3A_214 = arith.index_cast %scan3A_136 : i32 to index
          %swap3A_215 = arith.constant 64 : index
          %swap3A_216 = tpu.vector_load %arg14[%swap3A_214, %swap3A_215] {strides = array<i32>} : memref<128x128xf32, #tpu.memory_space<vmem>>, vector<1x16xf32>,
          %swap3A_217 = vector.shape_cast %swap3A_216 : vector<1x16xf32> to vector<16xf32>
          %swap3A_218 = vector.shape_cast %mul3A_213 : vector<16xf32> to vector<1x16xf32>
          tpu.vector_store %arg14[%swap3A_214, %swap3A_215], %swap3A_218 {strides = array<i32>} : memref<128x128xf32, #tpu.memory_space<vmem>>, vector<1x16xf32>,
          %broadcast_in_dim3A_219 = vector.shape_cast %broadcast_in_dim3A_113 : vector<16xi32> to vector<16x1xi32>
          %gather3A_220 = vector.shape_cast %broadcast_in_dim3A_219 : vector<16x1xi32> to vector<16xi32>
          %gather3A_221 = tpu.dynamic_gather %mul3A_154[%gather3A_220] in [0] : vector<16xf32>, vector<16xi32> -> vector<16xf32>
          %get3A_222 = arith.index_cast %scan3A_136 : i32 to index
          %get3A_223 = arith.constant 80 : index
          %get3A_224 = tpu.vector_load %arg14[%get3A_222, %get3A_223] {strides = array<i32>} : memref<128x128xf32, #tpu.memory_space<vmem>>, vector<1x16xf32>,
          %get3A_225 = vector.shape_cast %get3A_224 : vector<1x16xf32> to vector<16xf32>
          %mul3A_226 = arith.mulf %get3A_225, %gather3A_221 : vector<16xf32>
          %swap3A_227 = arith.index_cast %scan3A_136 : i32 to index
          %swap3A_228 = arith.constant 80 : index
          %swap3A_229 = tpu.vector_load %arg14[%swap3A_227, %swap3A_228] {strides = array<i32>} : memref<128x128xf32, #tpu.memory_space<vmem>>, vector<1x16xf32>,
          %swap3A_230 = vector.shape_cast %swap3A_229 : vector<1x16xf32> to vector<16xf32>
          %swap3A_231 = vector.shape_cast %mul3A_226 : vector<16xf32> to vector<1x16xf32>
          tpu.vector_store %arg14[%swap3A_227, %swap3A_228], %swap3A_231 {strides = array<i32>} : memref<128x128xf32, #tpu.memory_space<vmem>>, vector<1x16xf32>,
          %broadcast_in_dim3A_232 = vector.shape_cast %broadcast_in_dim3A_115 : vector<16xi32> to vector<16x1xi32>
          %gather3A_233 = vector.shape_cast %broadcast_in_dim3A_232 : vector<16x1xi32> to vector<16xi32>
          %gather3A_234 = tpu.dynamic_gather %mul3A_154[%gather3A_233] in [0] : vector<16xf32>, vector<16xi32> -> vector<16xf32>
          %get3A_235 = arith.index_cast %scan3A_136 : i32 to index
          %get3A_236 = arith.constant 96 : index
          %get3A_237 = tpu.vector_load %arg14[%get3A_235, %get3A_236] {strides = array<i32>} : memref<128x128xf32, #tpu.memory_space<vmem>>, vector<1x16xf32>,
          %get3A_238 = vector.shape_cast %get3A_237 : vector<1x16xf32> to vector<16xf32>
          %mul3A_239 = arith.mulf %get3A_238, %gather3A_234 : vector<16xf32>
          %swap3A_240 = arith.index_cast %scan3A_136 : i32 to index
          %swap3A_241 = arith.constant 96 : index
          %swap3A_242 = tpu.vector_load %arg14[%swap3A_240, %swap3A_241] {strides = array<i32>} : memref<128x128xf32, #tpu.memory_space<vmem>>, vector<1x16xf32>,
          %swap3A_243 = vector.shape_cast %swap3A_242 : vector<1x16xf32> to vector<16xf32>
          %swap3A_244 = vector.shape_cast %mul3A_239 : vector<16xf32> to vector<1x16xf32>
          tpu.vector_store %arg14[%swap3A_240, %swap3A_241], %swap3A_244 {strides = array<i32>} : memref<128x128xf32, #tpu.memory_space<vmem>>, vector<1x16xf32>,
          %broadcast_in_dim3A_245 = vector.shape_cast %broadcast_in_dim3A_117 : vector<16xi32> to vector<16x1xi32>
          %gather3A_246 = vector.shape_cast %broadcast_in_dim3A_245 : vector<16x1xi32> to vector<16xi32>
          %gather3A_247 = tpu.dynamic_gather %mul3A_154[%gather3A_246] in [0] : vector<16xf32>, vector<16xi32> -> vector<16xf32>
          %get3A_248 = arith.index_cast %scan3A_136 : i32 to index
          %get3A_249 = arith.constant 112 : index
          %get3A_250 = tpu.vector_load %arg14[%get3A_248, %get3A_249] {strides = array<i32>} : memref<128x128xf32, #tpu.memory_space<vmem>>, vector<1x16xf32>,
          %get3A_251 = vector.shape_cast %get3A_250 : vector<1x16xf32> to vector<16xf32>
          %mul3A_252 = arith.mulf %get3A_251, %gather3A_247 : vector<16xf32>
          %swap3A_253 = arith.index_cast %scan3A_136 : i32 to index
          %swap3A_254 = arith.constant 112 : index
          %swap3A_255 = tpu.vector_load %arg14[%swap3A_253, %swap3A_254] {strides = array<i32>} : memref<128x128xf32, #tpu.memory_space<vmem>>, vector<1x16xf32>,
          %swap3A_256 = vector.shape_cast %swap3A_255 : vector<1x16xf32> to vector<16xf32>
          %swap3A_257 = vector.shape_cast %mul3A_252 : vector<16xf32> to vector<1x16xf32>
          tpu.vector_store %arg14[%swap3A_253, %swap3A_254], %swap3A_257 {strides = array<i32>} : memref<128x128xf32, #tpu.memory_space<vmem>>, vector<1x16xf32>,
          %shift_right_logical3A = arith.constant 4 : i32
          %shift_right_logical3A_258 = arith.shrui %scan3A_136, %shift_right_logical3A : i32
          %shift_left3A = arith.constant 4 : i32
          %shift_left3A_259 = arith.shli %shift_right_logical3A_258, %shift_left3A : i32
          %get3A_260 = arith.index_cast %shift_left3A_259 : i32 to index
          %get3A_261 = tpu.vector_load %arg9[%get3A_260] {strides = array<i32>} : memref<128xi32, #tpu.memory_space<vmem>>, vector<16xi32>,
          %get3A_262 = vector.shape_cast %get3A_261 : vector<16xi32> to vector<16xi32>
          %and3A_263 = arith.constant 7 : i32
          %and3A_264 = vector.broadcast %and3A_263 : i32 to vector<16xi32>
          %and3A_265 = arith.andi %get3A_262, %and3A_264 : vector<16xi32>
          %convert_element_type3A_266 = arith.sitofp %and3A_265 : vector<16xi32> to vector<16xf32>
          %and3A_267 = arith.constant 15 : i32
          %and3A_268 = arith.andi %scan3A_136, %and3A_267 : i32
          %broadcast_in_dim3A_269 = vector.broadcast %and3A_268 : i32 to vector<16xi32>
          %broadcast_in_dim3A_270 = vector.shape_cast %broadcast_in_dim3A_269 : vector<16xi32> to vector<16x1xi32>
          %gather3A_271 = vector.shape_cast %broadcast_in_dim3A_270 : vector<16x1xi32> to vector<16xi32>
          %gather3A_272 = tpu.dynamic_gather %convert_element_type3A_266[%gather3A_271] in [0] : vector<16xf32>, vector<16xi32> -> vector<16xf32>
          %sub3A_273 = arith.constant 0.000000e+00 : f32
          %sub3A_274 = vector.broadcast %sub3A_273 : f32 to vector<16xf32>
          %sub3A_275 = arith.subf %gather3A_272, %sub3A_274 : vector<16xf32>
          %abs3A = math.absf %sub3A_275 : vector<16xf32>
          %jit3A_276 = arith.constant 0.000000e+00 : f32
          %jit3A_277 = arith.constant 1.000000e+00 : f32
          %max3A_278 = vector.broadcast %jit3A_276 : f32 to vector<16xf32>
          %max3A_279 = arith.maximumf %max3A_278, %abs3A : vector<16xf32>
          %min3A_280 = vector.broadcast %jit3A_277 : f32 to vector<16xf32>
          %min3A_281 = arith.minimumf %min3A_280, %max3A_279 : vector<16xf32>
          %sub3A_282 = arith.constant 1.000000e+00 : f32
          %sub3A_283 = vector.broadcast %sub3A_282 : f32 to vector<16xf32>
          %sub3A_284 = arith.subf %sub3A_283, %min3A_281 : vector<16xf32>
          %mul3A_285 = arith.mulf %mul3A_154, %sub3A_284 : vector<16xf32>
          %swap3A_286 = arith.index_cast %scan3A_136 : i32 to index
          %swap3A_287 = arith.constant 0 : index
          %swap3A_288 = tpu.vector_load %arg15[%swap3A_286, %swap3A_287] {strides = array<i32>} : memref<128x128xf32, #tpu.memory_space<vmem>>, vector<1x16xf32>,
          %swap3A_289 = vector.shape_cast %swap3A_288 : vector<1x16xf32> to vector<16xf32>
          %swap3A_290 = vector.shape_cast %mul3A_285 : vector<16xf32> to vector<1x16xf32>
          tpu.vector_store %arg15[%swap3A_286, %swap3A_287], %swap3A_290 {strides = array<i32>} : memref<128x128xf32, #tpu.memory_space<vmem>>, vector<1x16xf32>,
          %sub3A_291 = arith.constant 1.000000e+00 : f32
          %sub3A_292 = vector.broadcast %sub3A_291 : f32 to vector<16xf32>
          %sub3A_293 = arith.subf %gather3A_272, %sub3A_292 : vector<16xf32>
          %abs3A_294 = math.absf %sub3A_293 : vector<16xf32>
          %jit3A_295 = arith.constant 0.000000e+00 : f32
          %jit3A_296 = arith.constant 1.000000e+00 : f32
          %max3A_297 = vector.broadcast %jit3A_295 : f32 to vector<16xf32>
          %max3A_298 = arith.maximumf %max3A_297, %abs3A_294 : vector<16xf32>
          %min3A_299 = vector.broadcast %jit3A_296 : f32 to vector<16xf32>
          %min3A_300 = arith.minimumf %min3A_299, %max3A_298 : vector<16xf32>
          %sub3A_301 = arith.constant 1.000000e+00 : f32
          %sub3A_302 = vector.broadcast %sub3A_301 : f32 to vector<16xf32>
          %sub3A_303 = arith.subf %sub3A_302, %min3A_300 : vector<16xf32>
          %mul3A_304 = arith.mulf %mul3A_154, %sub3A_303 : vector<16xf32>
          %swap3A_305 = arith.index_cast %scan3A_136 : i32 to index
          %swap3A_306 = arith.constant 16 : index
          %swap3A_307 = tpu.vector_load %arg15[%swap3A_305, %swap3A_306] {strides = array<i32>} : memref<128x128xf32, #tpu.memory_space<vmem>>, vector<1x16xf32>,
          %swap3A_308 = vector.shape_cast %swap3A_307 : vector<1x16xf32> to vector<16xf32>
          %swap3A_309 = vector.shape_cast %mul3A_304 : vector<16xf32> to vector<1x16xf32>
          tpu.vector_store %arg15[%swap3A_305, %swap3A_306], %swap3A_309 {strides = array<i32>} : memref<128x128xf32, #tpu.memory_space<vmem>>, vector<1x16xf32>,
          %sub3A_310 = arith.constant 2.000000e+00 : f32
          %sub3A_311 = vector.broadcast %sub3A_310 : f32 to vector<16xf32>
          %sub3A_312 = arith.subf %gather3A_272, %sub3A_311 : vector<16xf32>
          %abs3A_313 = math.absf %sub3A_312 : vector<16xf32>
          %jit3A_314 = arith.constant 0.000000e+00 : f32
          %jit3A_315 = arith.constant 1.000000e+00 : f32
          %max3A_316 = vector.broadcast %jit3A_314 : f32 to vector<16xf32>
          %max3A_317 = arith.maximumf %max3A_316, %abs3A_313 : vector<16xf32>
          %min3A_318 = vector.broadcast %jit3A_315 : f32 to vector<16xf32>
          %min3A_319 = arith.minimumf %min3A_318, %max3A_317 : vector<16xf32>
          %sub3A_320 = arith.constant 1.000000e+00 : f32
          %sub3A_321 = vector.broadcast %sub3A_320 : f32 to vector<16xf32>
          %sub3A_322 = arith.subf %sub3A_321, %min3A_319 : vector<16xf32>
          %mul3A_323 = arith.mulf %mul3A_154, %sub3A_322 : vector<16xf32>
          %swap3A_324 = arith.index_cast %scan3A_136 : i32 to index
          %swap3A_325 = arith.constant 32 : index
          %swap3A_326 = tpu.vector_load %arg15[%swap3A_324, %swap3A_325] {strides = array<i32>} : memref<128x128xf32, #tpu.memory_space<vmem>>, vector<1x16xf32>,
          %swap3A_327 = vector.shape_cast %swap3A_326 : vector<1x16xf32> to vector<16xf32>
          %swap3A_328 = vector.shape_cast %mul3A_323 : vector<16xf32> to vector<1x16xf32>
          tpu.vector_store %arg15[%swap3A_324, %swap3A_325], %swap3A_328 {strides = array<i32>} : memref<128x128xf32, #tpu.memory_space<vmem>>, vector<1x16xf32>,
          %sub3A_329 = arith.constant 3.000000e+00 : f32
          %sub3A_330 = vector.broadcast %sub3A_329 : f32 to vector<16xf32>
          %sub3A_331 = arith.subf %gather3A_272, %sub3A_330 : vector<16xf32>
          %abs3A_332 = math.absf %sub3A_331 : vector<16xf32>
          %jit3A_333 = arith.constant 0.000000e+00 : f32
          %jit3A_334 = arith.constant 1.000000e+00 : f32
          %max3A_335 = vector.broadcast %jit3A_333 : f32 to vector<16xf32>
          %max3A_336 = arith.maximumf %max3A_335, %abs3A_332 : vector<16xf32>
          %min3A_337 = vector.broadcast %jit3A_334 : f32 to vector<16xf32>
          %min3A_338 = arith.minimumf %min3A_337, %max3A_336 : vector<16xf32>
          %sub3A_339 = arith.constant 1.000000e+00 : f32
          %sub3A_340 = vector.broadcast %sub3A_339 : f32 to vector<16xf32>
          %sub3A_341 = arith.subf %sub3A_340, %min3A_338 : vector<16xf32>
          %mul3A_342 = arith.mulf %mul3A_154, %sub3A_341 : vector<16xf32>
          %swap3A_343 = arith.index_cast %scan3A_136 : i32 to index
          %swap3A_344 = arith.constant 48 : index
          %swap3A_345 = tpu.vector_load %arg15[%swap3A_343, %swap3A_344] {strides = array<i32>} : memref<128x128xf32, #tpu.memory_space<vmem>>, vector<1x16xf32>,
          %swap3A_346 = vector.shape_cast %swap3A_345 : vector<1x16xf32> to vector<16xf32>
          %swap3A_347 = vector.shape_cast %mul3A_342 : vector<16xf32> to vector<1x16xf32>
          tpu.vector_store %arg15[%swap3A_343, %swap3A_344], %swap3A_347 {strides = array<i32>} : memref<128x128xf32, #tpu.memory_space<vmem>>, vector<1x16xf32>,
          %sub3A_348 = arith.constant 4.000000e+00 : f32
          %sub3A_349 = vector.broadcast %sub3A_348 : f32 to vector<16xf32>
          %sub3A_350 = arith.subf %gather3A_272, %sub3A_349 : vector<16xf32>
          %abs3A_351 = math.absf %sub3A_350 : vector<16xf32>
          %jit3A_352 = arith.constant 0.000000e+00 : f32
          %jit3A_353 = arith.constant 1.000000e+00 : f32
          %max3A_354 = vector.broadcast %jit3A_352 : f32 to vector<16xf32>
          %max3A_355 = arith.maximumf %max3A_354, %abs3A_351 : vector<16xf32>
          %min3A_356 = vector.broadcast %jit3A_353 : f32 to vector<16xf32>
          %min3A_357 = arith.minimumf %min3A_356, %max3A_355 : vector<16xf32>
          %sub3A_358 = arith.constant 1.000000e+00 : f32
          %sub3A_359 = vector.broadcast %sub3A_358 : f32 to vector<16xf32>
          %sub3A_360 = arith.subf %sub3A_359, %min3A_357 : vector<16xf32>
          %mul3A_361 = arith.mulf %mul3A_154, %sub3A_360 : vector<16xf32>
          %swap3A_362 = arith.index_cast %scan3A_136 : i32 to index
          %swap3A_363 = arith.constant 64 : index
          %swap3A_364 = tpu.vector_load %arg15[%swap3A_362, %swap3A_363] {strides = array<i32>} : memref<128x128xf32, #tpu.memory_space<vmem>>, vector<1x16xf32>,
          %swap3A_365 = vector.shape_cast %swap3A_364 : vector<1x16xf32> to vector<16xf32>
          %swap3A_366 = vector.shape_cast %mul3A_361 : vector<16xf32> to vector<1x16xf32>
          tpu.vector_store %arg15[%swap3A_362, %swap3A_363], %swap3A_366 {strides = array<i32>} : memref<128x128xf32, #tpu.memory_space<vmem>>, vector<1x16xf32>,
          %sub3A_367 = arith.constant 5.000000e+00 : f32
          %sub3A_368 = vector.broadcast %sub3A_367 : f32 to vector<16xf32>
          %sub3A_369 = arith.subf %gather3A_272, %sub3A_368 : vector<16xf32>
          %abs3A_370 = math.absf %sub3A_369 : vector<16xf32>
          %jit3A_371 = arith.constant 0.000000e+00 : f32
          %jit3A_372 = arith.constant 1.000000e+00 : f32
          %max3A_373 = vector.broadcast %jit3A_371 : f32 to vector<16xf32>
          %max3A_374 = arith.maximumf %max3A_373, %abs3A_370 : vector<16xf32>
          %min3A_375 = vector.broadcast %jit3A_372 : f32 to vector<16xf32>
          %min3A_376 = arith.minimumf %min3A_375, %max3A_374 : vector<16xf32>
          %sub3A_377 = arith.constant 1.000000e+00 : f32
          %sub3A_378 = vector.broadcast %sub3A_377 : f32 to vector<16xf32>
          %sub3A_379 = arith.subf %sub3A_378, %min3A_376 : vector<16xf32>
          %mul3A_380 = arith.mulf %mul3A_154, %sub3A_379 : vector<16xf32>
          %swap3A_381 = arith.index_cast %scan3A_136 : i32 to index
          %swap3A_382 = arith.constant 80 : index
          %swap3A_383 = tpu.vector_load %arg15[%swap3A_381, %swap3A_382] {strides = array<i32>} : memref<128x128xf32, #tpu.memory_space<vmem>>, vector<1x16xf32>,
          %swap3A_384 = vector.shape_cast %swap3A_383 : vector<1x16xf32> to vector<16xf32>
          %swap3A_385 = vector.shape_cast %mul3A_380 : vector<16xf32> to vector<1x16xf32>
          tpu.vector_store %arg15[%swap3A_381, %swap3A_382], %swap3A_385 {strides = array<i32>} : memref<128x128xf32, #tpu.memory_space<vmem>>, vector<1x16xf32>,
          %sub3A_386 = arith.constant 6.000000e+00 : f32
          %sub3A_387 = vector.broadcast %sub3A_386 : f32 to vector<16xf32>
          %sub3A_388 = arith.subf %gather3A_272, %sub3A_387 : vector<16xf32>
          %abs3A_389 = math.absf %sub3A_388 : vector<16xf32>
          %jit3A_390 = arith.constant 0.000000e+00 : f32
          %jit3A_391 = arith.constant 1.000000e+00 : f32
          %max3A_392 = vector.broadcast %jit3A_390 : f32 to vector<16xf32>
          %max3A_393 = arith.maximumf %max3A_392, %abs3A_389 : vector<16xf32>
          %min3A_394 = vector.broadcast %jit3A_391 : f32 to vector<16xf32>
          %min3A_395 = arith.minimumf %min3A_394, %max3A_393 : vector<16xf32>
          %sub3A_396 = arith.constant 1.000000e+00 : f32
          %sub3A_397 = vector.broadcast %sub3A_396 : f32 to vector<16xf32>
          %sub3A_398 = arith.subf %sub3A_397, %min3A_395 : vector<16xf32>
          %mul3A_399 = arith.mulf %mul3A_154, %sub3A_398 : vector<16xf32>
          %swap3A_400 = arith.index_cast %scan3A_136 : i32 to index
          %swap3A_401 = arith.constant 96 : index
          %swap3A_402 = tpu.vector_load %arg15[%swap3A_400, %swap3A_401] {strides = array<i32>} : memref<128x128xf32, #tpu.memory_space<vmem>>, vector<1x16xf32>,
          %swap3A_403 = vector.shape_cast %swap3A_402 : vector<1x16xf32> to vector<16xf32>
          %swap3A_404 = vector.shape_cast %mul3A_399 : vector<16xf32> to vector<1x16xf32>
          tpu.vector_store %arg15[%swap3A_400, %swap3A_401], %swap3A_404 {strides = array<i32>} : memref<128x128xf32, #tpu.memory_space<vmem>>, vector<1x16xf32>,
          %sub3A_405 = arith.constant 7.000000e+00 : f32
          %sub3A_406 = vector.broadcast %sub3A_405 : f32 to vector<16xf32>
          %sub3A_407 = arith.subf %gather3A_272, %sub3A_406 : vector<16xf32>
          %abs3A_408 = math.absf %sub3A_407 : vector<16xf32>
          %jit3A_409 = arith.constant 0.000000e+00 : f32
          %jit3A_410 = arith.constant 1.000000e+00 : f32
          %max3A_411 = vector.broadcast %jit3A_409 : f32 to vector<16xf32>
          %max3A_412 = arith.maximumf %max3A_411, %abs3A_408 : vector<16xf32>
          %min3A_413 = vector.broadcast %jit3A_410 : f32 to vector<16xf32>
          %min3A_414 = arith.minimumf %min3A_413, %max3A_412 : vector<16xf32>
          %sub3A_415 = arith.constant 1.000000e+00 : f32
          %sub3A_416 = vector.broadcast %sub3A_415 : f32 to vector<16xf32>
          %sub3A_417 = arith.subf %sub3A_416, %min3A_414 : vector<16xf32>
          %mul3A_418 = arith.mulf %mul3A_154, %sub3A_417 : vector<16xf32>
          %swap3A_419 = arith.index_cast %scan3A_136 : i32 to index
          %swap3A_420 = arith.constant 112 : index
          %swap3A_421 = tpu.vector_load %arg15[%swap3A_419, %swap3A_420] {strides = array<i32>} : memref<128x128xf32, #tpu.memory_space<vmem>>, vector<1x16xf32>,
          %swap3A_422 = vector.shape_cast %swap3A_421 : vector<1x16xf32> to vector<16xf32>
          %swap3A_423 = vector.shape_cast %mul3A_418 : vector<16xf32> to vector<1x16xf32>
          tpu.vector_store %arg15[%swap3A_419, %swap3A_420], %swap3A_423 {strides = array<i32>} : memref<128x128xf32, #tpu.memory_space<vmem>>, vector<1x16xf32>,
        }
        %scan3A_123 = arith.constant 128 : i32
        %dma_start3A_124 = arith.constant 0 : i32
        %dma_start3A_125 = arith.constant 0 : i32
        %dma_start3A_126 = tpu.memref_slice %arg17[%dma_start3A_124, %dma_start3A_125] : memref<768x128xf32, #tpu.memory_space<vmem_shared>> -> memref<768x128xf32, #tpu.memory_space<vmem_shared>>
        tpu.enqueue_indirect_dma source(%arg15 : memref<128x128xf32, #tpu.memory_space<vmem>>) target(%dma_start3A_126 : memref<768x128xf32, #tpu.memory_space<vmem_shared>>) offsets(%arg11 : memref<128xi32, #tpu.memory_space<vmem>>) semaphore(%arg18 : memref<!tpu.dma_semaphore, #tpu.memory_space<semaphore_mem>>) {add = true}
        %dma_start3A_127 = arith.constant 0 : i32
        %dma_start3A_128 = arith.constant 0 : i32
        %dma_start3A_129 = tpu.memref_slice %arg16[%dma_start3A_127, %dma_start3A_128] : memref<5248x128xf32, #tpu.memory_space<vmem_shared>> -> memref<5248x128xf32, #tpu.memory_space<vmem_shared>>
        tpu.enqueue_indirect_dma source(%arg14 : memref<128x128xf32, #tpu.memory_space<vmem>>) target(%dma_start3A_129 : memref<5248x128xf32, #tpu.memory_space<vmem_shared>>) offsets(%arg10 : memref<128xi32, #tpu.memory_space<vmem>>) semaphore(%arg18 : memref<!tpu.dma_semaphore, #tpu.memory_space<semaphore_mem>>) {add = true}
        %dma_wait3A_130 = arith.constant 0 : i32
        %dma_wait3A_131 = arith.constant 0 : i32
        %dma_wait3A_132 = tpu.memref_slice %arg17[%dma_wait3A_130, %dma_wait3A_131] : memref<768x128xf32, #tpu.memory_space<vmem_shared>> -> memref<768x128xf32, #tpu.memory_space<vmem_shared>>
        tpu.wait_indirect_dma semaphore(%arg18 : memref<!tpu.dma_semaphore, #tpu.memory_space<semaphore_mem>>) src(%arg15 : memref<128x128xf32, #tpu.memory_space<vmem>>) dst(%dma_wait3A_132 : memref<768x128xf32, #tpu.memory_space<vmem_shared>>)
        %dma_wait3A_133 = arith.constant 0 : i32
        %dma_wait3A_134 = arith.constant 0 : i32
        %dma_wait3A_135 = tpu.memref_slice %arg16[%dma_wait3A_133, %dma_wait3A_134] : memref<5248x128xf32, #tpu.memory_space<vmem_shared>> -> memref<5248x128xf32, #tpu.memory_space<vmem_shared>>
        tpu.wait_indirect_dma semaphore(%arg18 : memref<!tpu.dma_semaphore, #tpu.memory_space<semaphore_mem>>) src(%arg14 : memref<128x128xf32, #tpu.memory_space<vmem>>) dst(%dma_wait3A_135 : memref<5248x128xf32, #tpu.memory_space<vmem_shared>>)
      } else {
      }
    }
    %scan3A_22 = arith.constant 157 : i32
    %barrier3A_23 = arith.constant 0 : index
    tpu.barrier barrier_id(%barrier3A_23)
    %mul3A_24 = arith.constant 5248 : i32
    %mul3A_25 = arith.muli %arg0, %mul3A_24 : i32
    %mul3A_26 = arith.constant 328 : i32
    %mul3A_27 = arith.muli %arg1, %mul3A_26 : i32
    %add3A_28 = arith.addi %mul3A_25, %mul3A_27 : i32
    %multiple_of3A = tpu.assume_multiple %add3A_28, 8 : i32
    %mul3A_29 = arith.constant 328 : i32
    %mul3A_30 = arith.muli %arg1, %mul3A_29 : i32
    "tpu.region"() ({
      %run_scoped3A = tpu.sem_alloc : memref<!tpu.dma_semaphore, #tpu.memory_space<semaphore_mem>>
      %dma_start3A = arith.constant 0 : i32
      %dma_start3A_39 = tpu.memref_slice %arg6[%multiple_of3A, %dma_start3A] : memref<10496x128xf32, #tpu.memory_space<hbm>> -> memref<328x128xf32, #tpu.memory_space<hbm>>
      %dma_start3A_40 = arith.constant 0 : i32
      %dma_start3A_41 = tpu.memref_slice %arg16[%mul3A_30, %dma_start3A_40] : memref<5248x128xf32, #tpu.memory_space<vmem_shared>> -> memref<328x128xf32, #tpu.memory_space<vmem_shared>>
      tpu.enqueue_dma source(%dma_start3A_41 : memref<328x128xf32, #tpu.memory_space<vmem_shared>>) target(%dma_start3A_39 : memref<328x128xf32, #tpu.memory_space<hbm>>) target_semaphore(%run_scoped3A : memref<!tpu.dma_semaphore, #tpu.memory_space<semaphore_mem>>)
      %dma_wait3A = arith.constant 0 : i32
      %dma_wait3A_42 = tpu.memref_slice %arg6[%multiple_of3A, %dma_wait3A] : memref<10496x128xf32, #tpu.memory_space<hbm>> -> memref<328x128xf32, #tpu.memory_space<hbm>>
      %dma_wait3A_43 = arith.constant 0 : i32
      %dma_wait3A_44 = tpu.memref_slice %arg16[%mul3A_30, %dma_wait3A_43] : memref<5248x128xf32, #tpu.memory_space<vmem_shared>> -> memref<328x128xf32, #tpu.memory_space<vmem_shared>>
      tpu.wait_dma2 semaphore(%run_scoped3A : memref<!tpu.dma_semaphore, #tpu.memory_space<semaphore_mem>>) src(%dma_wait3A_44 : memref<328x128xf32, #tpu.memory_space<vmem_shared>>) dst(%dma_wait3A_42 : memref<328x128xf32, #tpu.memory_space<hbm>>)
      tpu.yield
    }) : () -> ()
    %mul3A_31 = arith.constant 768 : i32
    %mul3A_32 = arith.muli %arg0, %mul3A_31 : i32
    %mul3A_33 = arith.constant 48 : i32
    %mul3A_34 = arith.muli %arg1, %mul3A_33 : i32
    %add3A_35 = arith.addi %mul3A_32, %mul3A_34 : i32
    %multiple_of3A_36 = tpu.assume_multiple %add3A_35, 8 : i32
    %mul3A_37 = arith.constant 48 : i32
    %mul3A_38 = arith.muli %arg1, %mul3A_37 : i32
    "tpu.region"() ({
      %run_scoped3A = tpu.sem_alloc : memref<!tpu.dma_semaphore, #tpu.memory_space<semaphore_mem>>
      %dma_start3A = arith.constant 0 : i32
      %dma_start3A_39 = tpu.memref_slice %arg7[%multiple_of3A_36, %dma_start3A] : memref<1536x128xf32, #tpu.memory_space<hbm>> -> memref<48x128xf32, #tpu.memory_space<hbm>>
      %dma_start3A_40 = arith.constant 0 : i32
      %dma_start3A_41 = tpu.memref_slice %arg17[%mul3A_38, %dma_start3A_40] : memref<768x128xf32, #tpu.memory_space<vmem_shared>> -> memref<48x128xf32, #tpu.memory_space<vmem_shared>>
      tpu.enqueue_dma source(%dma_start3A_41 : memref<48x128xf32, #tpu.memory_space<vmem_shared>>) target(%dma_start3A_39 : memref<48x128xf32, #tpu.memory_space<hbm>>) target_semaphore(%run_scoped3A : memref<!tpu.dma_semaphore, #tpu.memory_space<semaphore_mem>>)
      %dma_wait3A = arith.constant 0 : i32
      %dma_wait3A_42 = tpu.memref_slice %arg7[%multiple_of3A_36, %dma_wait3A] : memref<1536x128xf32, #tpu.memory_space<hbm>> -> memref<48x128xf32, #tpu.memory_space<hbm>>
      %dma_wait3A_43 = arith.constant 0 : i32
      %dma_wait3A_44 = tpu.memref_slice %arg17[%mul3A_38, %dma_wait3A_43] : memref<768x128xf32, #tpu.memory_space<vmem_shared>> -> memref<48x128xf32, #tpu.memory_space<vmem_shared>>
      tpu.wait_dma2 semaphore(%run_scoped3A : memref<!tpu.dma_semaphore, #tpu.memory_space<semaphore_mem>>) src(%dma_wait3A_44 : memref<48x128xf32, #tpu.memory_space<vmem_shared>>) dst(%dma_wait3A_42 : memref<48x128xf32, #tpu.memory_space<hbm>>)
      tpu.yield
    }) : () -> ()
    return
  }
}

module attributes {stable_mosaic.version = 14 : i64} {
  func.func @_proj_body(%arg0: i32, %arg1: memref<1000x128xf32, #tpu.memory_space<vmem>>, %arg2: memref<128x128xf32, #tpu.memory_space<vmem>>, %arg3: memref<128x128xf32, #tpu.memory_space<vmem>>, %arg4: memref<1000x128xf32, #tpu.memory_space<vmem>>, %arg5: memref<1000x128xf32, #tpu.memory_space<vmem>>) attributes {dimension_semantics = [#tpu.dimension_semantics<arbitrary>], iteration_bounds = array<i64: 10>, scalar_prefetch = 0 : i64, scratch_operands = 0 : i64, tpu.core_type = #tpu.core_type<tc>, window_params = [{transform_indices = @transform_0, window_bounds = array<i64: 1000, 128>}, {pipeline_mode = #tpu.pipeline_mode<synchronous>, transform_indices = @transform_1, window_bounds = array<i64: 128, 128>}, {pipeline_mode = #tpu.pipeline_mode<synchronous>, transform_indices = @transform_2, window_bounds = array<i64: 128, 128>}, {transform_indices = @transform_3, window_bounds = array<i64: 1000, 128>}, {transform_indices = @transform_4, window_bounds = array<i64: 1000, 128>}]} {
    %get3A = arith.constant 0 : index
    %get3A_0 = arith.constant 0 : index
    %get3A_1 = vector.load %arg1[%get3A, %get3A_0] : memref<1000x128xf32, #tpu.memory_space<vmem>>, vector<1000x128xf32>
    %get3A_2 = arith.constant 0 : index
    %get3A_3 = arith.constant 0 : index
    %get3A_4 = vector.load %arg2[%get3A_2, %get3A_3] : memref<128x128xf32, #tpu.memory_space<vmem>>, vector<128x128xf32>
    %dot_general3A = arith.constant dense<0.000000e+00> : vector<1000x128xf32>
    %dot_general3A_5 = tpu.matmul %get3A_1, %get3A_4, %dot_general3A {dimension_numbers = #tpu.dot_dimension_numbers<[1], [0], [0], [1], [0, 0, 1, 1], [], []>, transpose_lhs_hint = false} : vector<1000x128xf32>, vector<128x128xf32>, vector<1000x128xf32> -> vector<1000x128xf32>
    %swap3A = arith.constant 0 : index
    %swap3A_6 = arith.constant 0 : index
    %swap3A_7 = vector.load %arg4[%swap3A, %swap3A_6] : memref<1000x128xf32, #tpu.memory_space<vmem>>, vector<1000x128xf32>
    tpu.vector_store %arg4[%swap3A, %swap3A_6], %dot_general3A_5 {strides = array<i32>} : memref<1000x128xf32, #tpu.memory_space<vmem>>, vector<1000x128xf32>,
    %get3A_8 = arith.constant 0 : index
    %get3A_9 = arith.constant 0 : index
    %get3A_10 = vector.load %arg3[%get3A_8, %get3A_9] : memref<128x128xf32, #tpu.memory_space<vmem>>, vector<128x128xf32>
    %dot_general3A_11 = arith.constant dense<0.000000e+00> : vector<1000x128xf32>
    %dot_general3A_12 = tpu.matmul %dot_general3A_5, %get3A_10, %dot_general3A_11 {dimension_numbers = #tpu.dot_dimension_numbers<[1], [0], [0], [1], [0, 0, 1, 1], [], []>, transpose_lhs_hint = false} : vector<1000x128xf32>, vector<128x128xf32>, vector<1000x128xf32> -> vector<1000x128xf32>
    %swap3A_13 = arith.constant 0 : index
    %swap3A_14 = arith.constant 0 : index
    %swap3A_15 = vector.load %arg5[%swap3A_13, %swap3A_14] : memref<1000x128xf32, #tpu.memory_space<vmem>>, vector<1000x128xf32>
    tpu.vector_store %arg5[%swap3A_13, %swap3A_14], %dot_general3A_12 {strides = array<i32>} : memref<1000x128xf32, #tpu.memory_space<vmem>>, vector<1000x128xf32>,
    return
  }
  func.func @transform_0(%arg0: i32) -> (i32, i32) {
    %c0_i32 = arith.constant 0 : i32
    %c0_i32_0 = arith.constant 0 : i32
    return %arg0, %c0_i32 : i32, i32
  }
  func.func @transform_1(%arg0: i32) -> (i32, i32) {
    %c0_i32 = arith.constant 0 : i32
    %c0_i32_0 = arith.constant 0 : i32
    %c0_i32_1 = arith.constant 0 : i32
    return %c0_i32, %c0_i32_0 : i32, i32
  }
  func.func @transform_2(%arg0: i32) -> (i32, i32) {
    %c0_i32 = arith.constant 0 : i32
    %c0_i32_0 = arith.constant 0 : i32
    %c0_i32_1 = arith.constant 0 : i32
    return %c0_i32, %c0_i32_0 : i32, i32
  }
  func.func @transform_3(%arg0: i32) -> (i32, i32) {
    %c0_i32 = arith.constant 0 : i32
    %c0_i32_0 = arith.constant 0 : i32
    return %arg0, %c0_i32 : i32, i32
  }
  func.func @transform_4(%arg0: i32) -> (i32, i32) {
    %c0_i32 = arith.constant 0 : i32
    %c0_i32_0 = arith.constant 0 : i32
    return %arg0, %c0_i32 : i32, i32
  }
}

module attributes {stable_mosaic.version = 14 : i64} {
  func.func @_comb_body(%arg0: i32, %arg1: memref<1000x128xf32, #tpu.memory_space<vmem>>, %arg2: memref<1000x128xf32, #tpu.memory_space<vmem>>, %arg3: memref<1000x16xf32, #tpu.memory_space<vmem>>, %arg4: memref<16x128xf32, #tpu.memory_space<vmem>>, %arg5: memref<1000x128xf32, #tpu.memory_space<vmem>>) attributes {dimension_semantics = [#tpu.dimension_semantics<arbitrary>], iteration_bounds = array<i64: 10>, scalar_prefetch = 0 : i64, scratch_operands = 0 : i64, tpu.core_type = #tpu.core_type<tc>, window_params = [{transform_indices = @transform_0, window_bounds = array<i64: 1000, 128>}, {transform_indices = @transform_1, window_bounds = array<i64: 1000, 128>}, {transform_indices = @transform_2, window_bounds = array<i64: 1000, 16>}, {pipeline_mode = #tpu.pipeline_mode<synchronous>, transform_indices = @transform_3, window_bounds = array<i64: 16, 128>}, {transform_indices = @transform_4, window_bounds = array<i64: 1000, 128>}]} {
    %get3A = arith.constant 0 : index
    %get3A_0 = arith.constant 0 : index
    %get3A_1 = vector.load %arg2[%get3A, %get3A_0] : memref<1000x128xf32, #tpu.memory_space<vmem>>, vector<1000x128xf32>
    %get3A_2 = arith.constant 0 : index
    %get3A_3 = arith.constant 0 : index
    %get3A_4 = vector.load %arg3[%get3A_2, %get3A_3] : memref<1000x16xf32, #tpu.memory_space<vmem>>, vector<1000x16xf32>
    %gt3A = arith.constant 0.000000e+00 : f32
    %gt3A_5 = vector.broadcast %gt3A : f32 to vector<1000x16xf32>
    %gt3A_6 = arith.cmpf ogt, %get3A_4, %gt3A_5 : vector<1000x16xf32>
    %gt3A_7 = arith.constant 0.000000e+00 : f32
    %gt3A_8 = vector.broadcast %gt3A_7 : f32 to vector<1000x16xf32>
    %gt3A_9 = arith.cmpf ogt, %get3A_4, %gt3A_8 : vector<1000x16xf32>
    %jit3A = arith.constant 1.000000e+00 : f32
    %broadcast_in_dim3A = vector.broadcast %jit3A : f32 to vector<1000x16xf32>
    %select_n3A = arith.select %gt3A_9, %get3A_4, %broadcast_in_dim3A : vector<1000x16xi1>, vector<1000x16xf32>
    %div3A = arith.constant 1.000000e+00 : f32
    %div3A_10 = vector.broadcast %div3A : f32 to vector<1000x16xf32>
    %div3A_11 = arith.divf %div3A_10, %select_n3A : vector<1000x16xf32>
    %jit3A_12 = arith.constant 0.000000e+00 : f32
    %broadcast_in_dim3A_13 = vector.broadcast %jit3A_12 : f32 to vector<1000x16xf32>
    %select_n3A_14 = arith.select %gt3A_6, %div3A_11, %broadcast_in_dim3A_13 : vector<1000x16xi1>, vector<1000x16xf32>
    %get3A_15 = arith.constant 0 : index
    %get3A_16 = arith.constant 0 : index
    %get3A_17 = vector.load %arg4[%get3A_15, %get3A_16] : memref<16x128xf32, #tpu.memory_space<vmem>>, vector<16x128xf32>
    %dot_general3A = arith.constant dense<0.000000e+00> : vector<1000x128xf32>
    %dot_general3A_18 = tpu.matmul %select_n3A_14, %get3A_17, %dot_general3A {dimension_numbers = #tpu.dot_dimension_numbers<[1], [0], [0], [1], [0, 0, 1, 1], [], []>, transpose_lhs_hint = false} : vector<1000x16xf32>, vector<16x128xf32>, vector<1000x128xf32> -> vector<1000x128xf32>
    %mul3A = arith.mulf %get3A_1, %dot_general3A_18 : vector<1000x128xf32>
    %get3A_19 = arith.constant 0 : index
    %get3A_20 = arith.constant 0 : index
    %get3A_21 = vector.load %arg1[%get3A_19, %get3A_20] : memref<1000x128xf32, #tpu.memory_space<vmem>>, vector<1000x128xf32>
    %gt3A_22 = arith.constant 0.000000e+00 : f32
    %gt3A_23 = vector.broadcast %gt3A_22 : f32 to vector<1000x128xf32>
    %gt3A_24 = arith.cmpf ogt, %mul3A, %gt3A_23 : vector<1000x128xf32>
    %exp3A = math.exp %mul3A : vector<1000x128xf32>
    %sub3A = arith.constant 1.000000e+00 : f32
    %sub3A_25 = vector.broadcast %sub3A : f32 to vector<1000x128xf32>
    %sub3A_26 = arith.subf %exp3A, %sub3A_25 : vector<1000x128xf32>
    %select_n3A_27 = arith.select %gt3A_24, %mul3A, %sub3A_26 : vector<1000x128xi1>, vector<1000x128xf32>
    %add3A = arith.addf %get3A_21, %select_n3A_27 : vector<1000x128xf32>
    %swap3A = arith.constant 0 : index
    %swap3A_28 = arith.constant 0 : index
    %swap3A_29 = vector.load %arg5[%swap3A, %swap3A_28] : memref<1000x128xf32, #tpu.memory_space<vmem>>, vector<1000x128xf32>
    tpu.vector_store %arg5[%swap3A, %swap3A_28], %add3A {strides = array<i32>} : memref<1000x128xf32, #tpu.memory_space<vmem>>, vector<1000x128xf32>,
    return
  }
  func.func @transform_0(%arg0: i32) -> (i32, i32) {
    %c0_i32 = arith.constant 0 : i32
    %c0_i32_0 = arith.constant 0 : i32
    return %arg0, %c0_i32 : i32, i32
  }
  func.func @transform_1(%arg0: i32) -> (i32, i32) {
    %c0_i32 = arith.constant 0 : i32
    %c0_i32_0 = arith.constant 0 : i32
    return %arg0, %c0_i32 : i32, i32
  }
  func.func @transform_2(%arg0: i32) -> (i32, i32) {
    %c0_i32 = arith.constant 0 : i32
    %c0_i32_0 = arith.constant 0 : i32
    return %arg0, %c0_i32 : i32, i32
  }
  func.func @transform_3(%arg0: i32) -> (i32, i32) {
    %c0_i32 = arith.constant 0 : i32
    %c0_i32_0 = arith.constant 0 : i32
    %c0_i32_1 = arith.constant 0 : i32
    return %c0_i32, %c0_i32_0 : i32, i32
  }
  func.func @transform_4(%arg0: i32) -> (i32, i32) {
    %c0_i32 = arith.constant 0 : i32
    %c0_i32_0 = arith.constant 0 : i32
    return %arg0, %c0_i32 : i32, i32
  }
}

</mosaic_0001>

<sc_bundles>
// kernel: kernel.5.cloned.1.call-start
scs
__scs_entry_jumppad:
0x0: {  	(pc) =	sbr.rel $0x88, $3  }
0x1: {  	(tag) =	ssettag $0x0;
	lr =	simm.s32 $0x1  }
0x2: {  	[smem:$0x3F9C] =	sst lr;
	_ =	strace $0xD0000000  }
0x3: {  	_ = 	snop  }
0x4: {  	_ = 	snop  }
0x5: {  	_ = 	snop  }
0x6: {  	_ = 	snop  }
0x7: {  	_ = 	snop  }
__scs_overlays_trampoline_lowered:
0x8: {  	[smem:$0x3FAB] =	sst s0  }
0x9: {  	[smem:$0x3FAC] =	sst s1  }
0xa: {  	[smem:$0x3FAD] =	sst s2  }
0xb: {  	[smem:$0x3FAE] =	sst s3  }
0xc: {  	[smem:$0x3FAF] =	sst s4  }
0xd: {  	[smem:$0x3FB0] =	sst s5  }
0xe: {  	[smem:$0x3FB1] =	sst s6  }
0xf: {  	[smem:$0x3FB2] =	sst s7  }
0x10: {  	[smem:$0x3FB3] =	sst s8  }
0x11: {  	[smem:$0x3FB4] =	sst s9;
	s0 =	simm.s32 @!p0 $0x0  }
0x12: {  	s1 =	sld [smem:$0x3F9A];
	s0 =	simm.s32 @p0 $0x1  }
0x13: {  	[smem:$0x3FB5] =	sst s0;
	s0 =	simm.s32 @!p1 $0x0  }
0x14: {  	s2 =	sld [smem:$0x3F99];
	s0 =	simm.s32 @p1 $0x1  }
0x15: {  	[smem:$0x3FB6] =	sst s0;
	s0 =	simm.s32 @!p2 $0x0  }
0x16: {  	s3 =	sld [smem:$0x3FDB];
	s0 =	simm.s32 @p2 $0x1  }
0x17: {  	s4 =	simm.s32 $0x1BF5;
	[smem:$0x3FB8] =	sst s0  }
0x18: {  	s0 =	sld [smem:$0x3F9B];
	_ =	swait.ge [sflag:s4], $0x0  }
0x19: {  	s7 =	sld [smem:$0x3F9C]  }
0x1a: {  	s8 =	sadd.s32 $0xFFFFE003, lr  }
0x1b: {  	s9 =	sadd.s32 $0xFFFFFEF7, lr;
	s5 =	simm.s32 $0xFFFFFFFF;
	p2 =	slt.u32 s8, $0xFFFFF086  }
0x1c: {  	p1 =	slt.u32 s9, $0xF7A;
	s5 =	simm.s32 @!p2 $0x0  }
0x1d: {  	s5 =	simm.s32 @p1 $0x1;
	p0 =	seq.s32 s7, s2  }
0x1e: {  	s7 =	smul.u32 @!p0 $0xF7A, s2;
	p2 =	seq.s32 @!p0 s5, $0x0  }
0x1f: {  	s9 =	smul.u32 $0xF7A, s1;
	s8 =	simm.s32 @!p0 $0x1BF5;
	p2 =	por !p2, p0  }
0x20: {  	[sflag:s8] =	ssyncset.s32 @!p0 $0xFFFFF086;
	s6 =	sadd.s32 @!p0 s3, s7;
	s7 =	simm.s32 @!p0 $0x108  }
0x21: {  	s3 =	sadd.s32 s3, s9;
	s6 =	sadd.s32 @!p0 $0x88, s6;
	s7 =	simm.s32 @p2 $0x1082  }
0x22: {  	[simem:s7], [sflag:s8] =	dma.local @!p0 [hbm:s6], $0xF7A  }
0x23: {  	s9 =	sor.u32 $0xD0000000, s2;
	s6 =	simm.s32 $0x108;
	_ =	swait.ge @!p0 [sflag:s8], $0x0  }
0x24: {  	s3 =	sadd.s32 $0x88, s3;
	s6 =	simm.s32 @!p1 $0x1082;
	[sflag:s4] =	ssyncset.s32 $0xFFFFF086  }
0x25: {  	[simem:s6], [sflag:s4] =	dma.local [hbm:s3], $0xF7A  }
0x26: {  	[smem:$0x3F9C] =	sst s1;
	(tag) =	ssettag s2;
	_ =	strace s9  }
0x27: {  	s1 =	sld [smem:$0x3FAC]  }
0x28: {  	s2 =	sld [smem:$0x3FAD]  }
0x29: {  	s4 =	sld [smem:$0x3FAF]  }
0x2a: {  	p0 =	seq.s32 s5, $0x0;
	s5 =	sld [smem:$0x3FB0]  }
0x2b: {  	s6 =	sld [smem:$0x3FB1]  }
0x2c: {  	s7 =	sld [smem:$0x3FB2]  }
0x2d: {  	s3 =	simm.s32 $0x108;
	s8 =	sld [smem:$0x3FB3]  }
0x2e: {  	s3 =	simm.s32 @!p0 $0x1082;
	s9 =	sld [smem:$0x3FB4]  }
0x2f: {  	lr =	sadd.s32 s0, s3;
	s0 =	sld [smem:$0x3FAB]  }
0x30: {  	s3 =	sld [smem:$0x3FAE]  }
0x31: {  	[smem:$0x3FB7] =	sst s10  }
0x32: {  	s10 =	sld [smem:$0x3FB5];
	_ =	sdelay $0x3  }
0x33: {  	p0 =	seq.s32 s10, $0x1;
	s10 =	sld [smem:$0x3FB7];
	_ =	sdelay $0x3  }
0x34: {  	[smem:$0x3FB7] =	sst s10  }
0x35: {  	s10 =	sld [smem:$0x3FB6];
	_ =	sdelay $0x3  }
0x36: {  	p1 =	seq.s32 s10, $0x1;
	s10 =	sld [smem:$0x3FB7];
	_ =	sdelay $0x3  }
0x37: {  	[smem:$0x3FB7] =	sst s10  }
0x38: {  	s10 =	sld [smem:$0x3FB8]  }
0x39: {  	_ = 	snop;
	(pc) =	sbr.ind lr, $3  }
0x3a: {  	_ = 	snop  }
0x3b: {  	_ = 	snop  }
0x3c: {  	p2 =	seq.s32 s10, $0x1;
	s10 =	sld [smem:$0x3FB7]  }
0x3d: {  	_ =	shalt  }
0x3e: {  	_ =	shalt  }
0x3f: {  	_ =	shalt  }
0x40: {  	_ =	shalt  }
0x41: {  	_ =	shalt  }
0x42: {  	_ =	shalt  }
0x43: {  	_ =	shalt  }
0x44: {  	_ =	shalt  }
0x45: {  	_ =	shalt  }
0x46: {  	_ =	shalt  }
0x47: {  	_ =	shalt  }
0x48: {  	_ =	shalt  }
0x49: {  	_ =	shalt  }
0x4a: {  	_ =	shalt  }
0x4b: {  	_ =	shalt  }
0x4c: {  	_ =	shalt  }
0x4d: {  	_ =	shalt  }
0x4e: {  	_ =	shalt  }
0x4f: {  	_ =	shalt  }
0x50: {  	_ =	shalt  }
0x51: {  	_ =	shalt  }
0x52: {  	_ =	shalt  }
0x53: {  	_ =	shalt  }
0x54: {  	_ =	shalt  }
0x55: {  	_ =	shalt  }
0x56: {  	_ =	shalt  }
0x57: {  	_ =	shalt  }
0x58: {  	_ =	shalt  }
0x59: {  	_ =	shalt  }
0x5a: {  	_ =	shalt  }
0x5b: {  	_ =	shalt  }
0x5c: {  	_ =	shalt  }
0x5d: {  	_ =	shalt  }
0x5e: {  	_ =	shalt  }
0x5f: {  	_ =	shalt  }
0x60: {  	_ =	shalt  }
0x61: {  	_ =	shalt  }
0x62: {  	_ =	shalt  }
0x63: {  	_ =	shalt  }
0x64: {  	_ =	shalt  }
0x65: {  	_ =	shalt  }
0x66: {  	_ =	shalt  }
0x67: {  	_ =	shalt  }
0x68: {  	_ =	shalt  }
0x69: {  	_ =	shalt  }
0x6a: {  	_ =	shalt  }
0x6b: {  	_ =	shalt  }
0x6c: {  	_ =	shalt  }
0x6d: {  	_ =	shalt  }
0x6e: {  	_ =	shalt  }
0x6f: {  	_ =	shalt  }
0x70: {  	_ =	shalt  }
0x71: {  	_ =	shalt  }
0x72: {  	_ =	shalt  }
0x73: {  	_ =	shalt  }
0x74: {  	_ =	shalt  }
0x75: {  	_ =	shalt  }
0x76: {  	_ =	shalt  }
0x77: {  	_ =	shalt  }
0x78: {  	_ =	shalt  }
0x79: {  	_ =	shalt  }
0x7a: {  	_ =	shalt  }
0x7b: {  	_ =	shalt  }
0x7c: {  	_ =	shalt  }
0x7d: {  	_ =	shalt  }
0x7e: {  	_ =	shalt  }
0x7f: {  	_ =	shalt  }
0x80: {  	_ =	shalt  }
0x81: {  	_ =	shalt  }
0x82: {  	_ =	shalt  }
0x83: {  	_ =	shalt  }
0x84: {  	_ =	shalt  }
0x85: {  	_ =	shalt  }
0x86: {  	_ =	shalt  }
0x87: {  	_ =	shalt  }
.Lfunc_end0:
.L_simem_size_0:
called_computation_lowered:
.L_overlay_start_0:
0x88: {  	s2 =	sld [smem:$0x3FD9]  }
0x89: {  	s3 =	sld [smem:$0x3FFE];
	_ =	sdelay $0x1  }
0x8a: {  	s1 =	srdreg.scid  }
0x8b: {  	s0 =	sand.u32 $0x1, s1  }
0x8c: {  	s14 =	sshll.u32 s0, $0xA;
	s2 =	sadd.s32 s3, s2  }
0x8d: {  	s2 =	sadd.s32 s2, s14  }
0x8e: {  	[smem:$0x3FC3] =	sst s2  }
0x8f: {  	_ = 	snop  }
0x90: {  	s2 =	sld [smem:$0x3FD0];
	_ =	sdelay $0x2  }
0x91: {  	s15 =	simm.s32 $0xA;
	s4 =	simm.s32 $0x10  }
0x92: {  	[smem:s4], [sflag:s15] =	dma.local [hbm:s2], $0x1  }
0x93: {  	_ =	swait.eq [sflag:s15], $0x1  }
0x94: {  	[sflag:s15] =	ssyncset.done $0x0  }
0x95: {  	s16 =	sld [smem:$0x10];
	[sflag:s15] =	ssyncadd.s32 $0xFFFFFFFF  }
0x96: {  	s17 =	sld [smem:$0x11];
	(tm) =	ssettm $0x1  }
0x97: {  	s18 =	sld [smem:$0x3FFB];
	_ =	sdelay $0x3  }
0x98: {  	_ =	strace s18  }
0x99: {  	s4 =	sld [smem:$0x3FFC];
	_ =	sdelay $0x3  }
0x9a: {  	_ =	strace s4  }
0x9b: {  	s4 =	sld [smem:$0x3FFD];
	_ =	sdelay $0x3  }
0x9c: {  	_ =	strace s4  }
0x9d: {  	_ =	strace $0x8FFFFFFF  }
0x9e: {  	s19 =	sld [smem:$0x3FDB];
	_ =	sdelay $0x1  }
0x9f: {  	s5 =	simm.s32 $_scs_section_size  }
0xa0: {  	s6 =	simm.s32 $_size__tile_overlayer_lowered;
	s7 =	simm.s32 $_tile_overlayer_lowered  }
0xa1: {  	s22 =	simm.s32 $0x1BFF;
	s21 =	sshll.u32 s7, $0x1;
	s4 =	sadd.s32 s5, s19  }
0xa2: {  	s8 =	simm.s32 $0x0;
	s20 =	sshll.u32 s6, $0x1;
	s6 =	sadd.s32 s21, s4  }
0xa3: {  	[timem:s8], [sflag:s22] =	dma.local [hbm:s6], s20  }
0xa4: {  	_ =	swait.ge [sflag:s22], s20  }
0xa5: {  	s5 =	ssub.s32 $0x0, s20;
	[sflag:s22] =	ssyncset.done $0x0  }
0xa6: {  	[sflag:s22] =	ssyncadd.s32 s5;
	_ =	sdelay $0x1  }
0xa7: {  	s23 =	simm.s32 $0x1B8B  }
0xa8: {  	_ =	swait.ge [sflag:s23], $0x1  }
0xa9: {  	[sflag:s23] =	ssyncset.done $0x0  }
0xaa: {  	s25 =	simm.s32 $0x1B8E;
	s24 =	sld [smem:$0x3FFE];
	[sflag:s23] =	ssyncadd.s32 $0xFFFFFFFF  }
0xab: {  	s26 =	simm.s32 $execute0_lowered;
	[smem:$0x3FD2] =	sst s25  }
0xac: {  	s6 =	sshll.u32 s26, $0x1;
	_ =	strace $0x80000046;
	[dreg:$0x1] =	wrdreg $0xFFFFFFFF  }
0xad: {  	s28 =	simm.s32 $_size_execute0_lowered;
	s4 =	sadd.s32 s4, s6;
	[dreg:$0x0] =	wrdreg $0x0  }
0xae: {  	s6 =	sshll.u32 s28, $0x1;
	[dreg:$0x2] =	wrdreg s4  }
0xaf: {  	[dreg:$0x3] =	wrdreg s6  }
0xb0: {  	[dreg:$0x4] =	wrdreg $0xC0  }
0xb1: {  	_ =	task [dreg:s8], $0x5FFFF  }
0xb2: {  	[dreg:$0x1] =	wrdreg $0xFFFFFFFF  }
0xb3: {  	[dreg:$0x0] =	wrdreg $0x60  }
0xb4: {  	[dreg:$0x2] =	wrdreg s24  }
0xb5: {  	[dreg:$0x3] =	wrdreg s16  }
0xb6: {  	[dreg:$0x4] =	wrdreg s17  }
0xb7: {  	[dreg:$0x5] =	wrdreg $0x102000  }
0xb8: {  	[dreg:$0x6] =	wrdreg $0x1A6000  }
0xb9: {  	[dreg:$0x7] =	wrdreg $0x9  }
0xba: {  	_ =	task.clear_ibuf [dreg:s8], $0x8FFFF;
	_ =	strace $0x90000046  }
0xbb: {  	s29 =	simm.s32 $0x9;
	_ =	strace $0x80000048  }
0xbc: {  	_ =	swait.ge [sflag:s29], $0x1  }
0xbd: {  	[sflag:s29] =	ssyncadd.s32 $0xFFFFFFFF  }
0xbe: {  	_ =	strace $0x90000048  }
0xbf: {  	_ =	sfence  }
0xc0: {  	s30 =	sld [smem:$0x0];
	_ =	sdelay $0x2  }
0xc1: {  	s31 =	sshll.u32 s1, $0xD;
	s1 =	sshrl.u32 s1, $0x2  }
0xc2: {  	s3 =	sand.u32 $0x4000, s31;
	s1 =	sadd.s32 s1, s30  }
0xc3: {  	s0 =	sor.u32 s3, s0;
	s1 =	sshll.u32 s1, $0x11  }
0xc4: {  	s0 =	sor.u32 s1, s0  }
0xc5: {  	s0 =	sadd.s32 $0x8F2B, s0  }
0xc6: {  	[sflag:s0] =	ssyncadd.remote.s32 $0x1  }
0xc7: {  	_ =	sfence.sel $0xFFFF  }
0xc8: {  	[dreg:$0x0] =	wrdreg $0xFFFFFFFF;
	(pc) =	sbr.abs _section_cstart, $3  }
0xc9: {  	[dreg:$0x1] =	wrdreg $0xFFFFFFFF  }
0xca: {  	_ =	task.clear_ibuf [dreg:s8], $0x2FFFF;
	_ =	strace $0x9FFFFFFF  }
0xcb: {  	(tm) =	ssettm $0x7FFFFFFF  }
tec
execute0_lowered:
.L_overlay_start_1:
0x0: {  	(tag) =	ssettag $0x1  }
0x1: {  	s2 =	rddreg [dreg:$0x0]  }
0x2: {  	s1 =	rddreg [dreg:$0x1]  }
0x3: {  	s10 =	rddreg [dreg:$0x2]  }
0x4: {  	s3 =	rddreg [dreg:$0x3];
	s0 =	stileid.u32  }
0x5: {  	s5 =	srdreg.scid;
	s11 =	smul.u32 $0x300, s0  }
0x6: {  	s4 =	rddreg [dreg:$0x4];
	s19 =	simm.s32 $0x1;
	s13 =	smul.u32 $0x1480, s0  }
0x7: {  	s20 =	simm.s32 $0x180;
	s21 =	simm.s32 $0xC200;
	s14 =	smul.u32 $0x29000, s0  }
0x8: {  	s22 =	simm.s32 $0x100;
	s9 =	sand.u32 $0x1, s5;
	s15 =	smul.u32 $0x6000, s0  }
0x9: {  	s5 =	simm.s32 $0x0;
	s6 =	sadd.s32 $0xB200, s2;
	s12 =	smul.u32 $0x3000, s9  }
0xa: {  	s7 =	sadd.s32 $0x1400, s2;
	s8 =	sadd.s32 $0x15000, s2;
	s16 =	smul.u32 $0x1388, s9  }
0xb: {  	[smem:$0x7FF] =	sst s5;
	s28 =	ssub.s32 $0x2, s9;
	s18 =	smul.u32 $0x14800, s9  }
0xc: {  	v0 =	vimm.s32 $0xFEDCBA98;
	v1 =	vimm.s32 $0x76543210;
	_ =	strace $0x80000047;
	s17 =	sshrl.u32 s28, $0x1;
	s14 =	sshrl.u32 s14, $0x2  }
0xd: {  	vm0 =	vcmask $0x1F00;
	v4 =	vimm.s32 $0x0;
	v0 =	vunpack.c.l.s4.s8 v0;
	s30 =	sshrl.u32 s15, $0x2;
	s11 =	sadd.s32 s11, s12;
	s17 =	ssub.s32 s28, s17  }
.Ltmp0:
0xe: {  	v5 =	vimm.s32 $0x1;
	v6 =	vimm.s32 $0x2;
	v1 =	vunpack.c.l.s4.s8 v1;
	s9 =	sadd.s32 s14, s3;
	s13 =	sadd.s32 s13, s18;
	(pc) =	sbr.rel .LBB2_1-.Ltmp0, $4  }
0xf: {  	v7 =	vimm.s32 $0x3;
	v2 =	vunpack.c.0.s8.s32 v0;
	v0 =	vmov s16;
	s12 =	sadd.s32 s30, s4;
	s16 =	simm.s32 $0x8200;
	s18 =	simm.s32 $0x80  }
0x10: {  	v8 =	vimm.s32 $0x4;
	v9 =	vimm.s32 $0x5;
	v3 =	vunpack.c.0.s8.s32 v1;
	s2 =	sadd.s32 s11, s2;
	s29 =	sadd.s32 $0x4000, s9;
	s31 =	sadd.s32 $0x8000, s9  }
0x11: {  	v10 =	vimm.s32 $0x6;
	v1 =	vimm.f32 $0.0e+00;
	v2 =	vand.u32 $0xF, v2;
	s13 =	sadd.s32 s10, s13;
	s15 =	smax.u32 s17, $0x1;
	[dreg:$0x6] =	wrdreg s29  }
0x12: {  	v11 =	vimm.s32 $0x7;
	s17 =	simm.s32 $0x2;
	[dreg:$0x7] =	wrdreg s31;
	v2 =	vcombine.low v2, v3;
	s14 =	sadd.s32 $0x3C200, s2;
	v3 =	vsel vm0, $0x3F800000, v1  }
.LBB2_9:
0x13: {  	s2 =	sshll.u32 s0, $0x6  }
0x14: {  	[bflag:$0x0] =	sbarrier.arrive $0xFFFF;
	s10 =	sshrl.u32 s9, $0x3;
	s2 =	sor.u32 $0x1C02, s2  }
0x15: {  	[hbm:s13], [sflag:s2] =	dma.local [spmem:s10], $0x1480  }
0x16: {  	s5 =	sadd.s32 $0x1, s5;
	_ =	swait.ge [sflag:s17], $0x1480  }
0x17: {  	p0 =	sne.s32 s5, s15;
	[sflag:s17] =	ssyncset.done $0x0  }
.Ltmp1:
0x18: {  	s31 =	sshrl.u32 s12, $0x3;
	[sflag:s17] =	ssyncadd.s32 $0xFFFFEB80;
	(pc) =	sbr.rel @!p0 .LBB2_10-.Ltmp1, $4  }
0x19: {  	[hbm:s14], [sflag:s2] =	dma.local [spmem:s31], $0x300  }
0x1a: {  	_ =	swait.ge [sflag:s17], $0x300  }
0x1b: {  	[sflag:s17] =	ssyncset.done $0x0  }
0x1c: {  	[sflag:s17] =	ssyncadd.s32 $0xFFFFFD00  }
.LBB2_1:
0x1d: {  	s2 =	simm.s32 $0x0;
	s10 =	simm.s32 $0x200  }
.LBB2_2:
0x1e: {  	p0 =	sne.s32 s10, $0xFE00;
	[tilespmem:s2+$0x8270] =	vst v1  }
0x1f: {  	[tilespmem:s2+$0x8200] =	vst v1  }
0x20: {  	[tilespmem:s2+$0x8210] =	vst v1  }
.Ltmp2:
0x21: {  	[tilespmem:s2+$0x8220] =	vst v1;
	(pc) =	sbr.rel @p0 .LBB2_2-.Ltmp2, $4  }
0x22: {  	[tilespmem:s2+$0x8230] =	vst v1  }
0x23: {  	[tilespmem:s2+$0x8240] =	vst v1  }
0x24: {  	[tilespmem:s2+$0x8250] =	vst v1  }
0x25: {  	[tilespmem:s2+$0x8260] =	vst v1;
	s2 =	sshra.s32 s10, $0x2;
	s10 =	sadd.s32 $0x200, s10  }
0x26: {  	[tilespmem:s2+$0x8270] =	vst v1  }
0x27: {  	[tilespmem:s2+$0x8200] =	vst v1  }
0x28: {  	[tilespmem:s2+$0x8210] =	vst v1  }
0x29: {  	[tilespmem:s2+$0x8220] =	vst v1  }
0x2a: {  	[tilespmem:s2+$0x8230] =	vst v1  }
0x2b: {  	[tilespmem:s2+$0x8240] =	vst v1  }
0x2c: {  	[tilespmem:s2+$0x8250] =	vst v1  }
0x2d: {  	[tilespmem:s2+$0x8260] =	vst v1  }
0x2e: {  	[spmem:s9] =	stream.linear.scatter [tilespmem:s16], [sflag:$0x2], $0x4000, $0x38;
	[tilespmem:$0x1BE00] =	vst v63  }
0x2f: {  	_ =	swait.ge [sflag:s17], $0x4000  }
0x30: {  	[sflag:s17] =	ssyncset.done $0x0  }
0x31: {  	s30 =	rddreg [dreg:$0x6];
	[sflag:s17] =	ssyncadd.s32 $0xFFFFC000  }
0x32: {  	[spmem:s30] =	stream.linear.scatter [tilespmem:s16], [sflag:$0x2], $0x4000, $0x38;
	[tilespmem:$0x1BE00] =	vst v63  }
0x33: {  	_ =	swait.ge [sflag:s17], $0x4000  }
0x34: {  	[sflag:s17] =	ssyncset.done $0x0  }
0x35: {  	s31 =	rddreg [dreg:$0x7];
	[sflag:s17] =	ssyncadd.s32 $0xFFFFC000  }
0x36: {  	[spmem:s31] =	stream.linear.scatter [tilespmem:s16], [sflag:$0x2], $0x2400, $0x38;
	[tilespmem:$0x1BE00] =	vst v63  }
0x37: {  	_ =	swait.ge [sflag:s17], $0x2400  }
0x38: {  	[sflag:s17] =	ssyncset.done $0x0  }
0x39: {  	[sflag:s17] =	ssyncadd.s32 $0xFFFFDC00  }
0x3a: {  	[spmem:s12] =	stream.linear.scatter [tilespmem:s16], [sflag:$0x2], $0x1800, $0x38;
	[tilespmem:$0x1BE00] =	vst v63  }
.Ltmp3:
0x3b: {  	_ =	swait.ge [sflag:s17], $0x1800;
	(pc) =	sbr.rel .LBB2_4-.Ltmp3, $4  }
0x3c: {  	[sflag:s17] =	ssyncset.done $0x0  }
0x3d: {  	[sflag:s17] =	ssyncadd.s32 $0xFFFFE800  }
0x3e: {  	[bflag:$0x0] =	sbarrier.arrive $0xFFFF  }
0x3f: {  	s23 =	simm.s32 $0x0  }
.LBB2_8:
0x40: {  	s23 =	sadd.s32 $0x1, s23  }
0x41: {  	p0 =	sne.s32 s23, $0x9D  }
.Ltmp4:
0x42: {  	_ = 	snop;
	(pc) =	sbr.rel @!p0 .LBB2_9-.Ltmp4, $1  }
0x43: {  	_ =	sdelay $0x3  }
.LBB2_4:
0x44: {  	s2 =	sshll.u32 s23, $0x4  }
0x45: {  	s2 =	sor.u32 s0, s2  }
0x46: {  	p0 =	sgt.u32 s2, $0x9C3  }
.Ltmp5:
0x47: {  	_ = 	snop;
	(pc) =	sbr.rel @p0 .LBB2_8-.Ltmp5, $1  }
0x48: {  	_ =	sdelay $0x3  }
0x49: {  	s2 =	sshll.u32 s2, $0x4  }
0x4a: {  	s24 =	simm.s32 $0x0;
	s10 =	sadd.s32 s6, s2  }
0x4b: {  	[tilespmem:s24], [sflag:$0x1] =	stream.linear.gather [hbm4b:s10+s24], $0x80, $0x38;
	[tilespmem:$0x1BE00] =	vst v63  }
0x4c: {  	s2 =	sadd.s32 s7, s2  }
0x4d: {  	[tilespmem:s18], [sflag:$0x1] =	stream.linear.gather [hbm4b:s2+s24], $0x80, $0x38;
	[tilespmem:$0x1BE00] =	vst v63  }
0x4e: {  	_ =	swait.ge [sflag:s19], $0x80  }
0x4f: {  	[sflag:s19] =	ssyncset.done $0x0  }
0x50: {  	[sflag:s19] =	ssyncadd.s32 $0xFFFFFF80  }
0x51: {  	_ =	swait.ge [sflag:s19], $0x80  }
0x52: {  	[sflag:s19] =	ssyncset.done $0x0  }
0x53: {  	s26 =	simm.s32 $0x200;
	[sflag:s19] =	ssyncadd.s32 $0xFFFFFF80  }
0x54: {  	[tilespmem:s26], [sflag:$0x1] =	stream.indirect.gather [hbm4b:s1+s18], $0x80, s24, s18, $0xb8;
	[tilespmem:$0x1BE00] =	vst v63  }
0x55: {  	s28 =	simm.s32 $0x4200  }
0x56: {  	[tilespmem:s28], [sflag:$0x1] =	stream.indirect.gather [hbm4b:s1+s18], $0x80, s18, s18, $0xb8;
	[tilespmem:$0x1BE00] =	vst v63  }
0x57: {  	_ = 	snop  }
0x58: {  	[tilespmem:s16], [sflag:$0x1] =	stream.indirect.gather [hbm4b:s8+s18], $0x80, s24, s18, $0xb8;
	[tilespmem:$0x1BE00] =	vst v63  }
0x59: {  	v12 =	vld [tilespmem:$0x80];
	_ =	sdelay $0x1  }
0x5a: {  	v13 =	vld [tilespmem:$0x90];
	_ =	sdelay $0x1  }
0x5b: {  	v14 =	vld [tilespmem:$0xA0]  }
0x5c: {  	v12 =	vsub.s32 v12, v0  }
0x5d: {  	v15 =	vld [tilespmem:$0xB0];
	vm0 =	vgt.u32 v12, $0x1387  }
0x5e: {  	v13 =	vsub.s32 v13, v0;
	v16 =	vsel vm0, $0x1400, v12;
	v12 =	vshrl.u32 v12, $0x3  }
0x5f: {  	v63 =	vld [tilespmem:$0xC0];
	vm9 =	vgt.u32 v13, $0x1387;
	[tilespmem:$0x100] =	vst v16;
	v12 =	vsel vm0, $0x280, v12  }
0x60: {  	v14 =	vsub.s32 v14, v0;
	[tilespmem:$0x180] =	vst v12;
	v12 =	vsel vm9, $0x1400, v13;
	v13 =	vshrl.u32 v13, $0x3  }
0x61: {  	vm10 =	vgt.u32 v14, $0x1387;
	[tilespmem:$0x110] =	vst v12;
	v12 =	vsel vm9, $0x280, v13;
	v13 =	vld [tilespmem:$0xD0]  }
0x62: {  	v15 =	vsub.s32 v15, v0;
	[tilespmem:$0x190] =	vst v12;
	v12 =	vsel vm10, $0x1400, v14;
	v14 =	vshrl.u32 v14, $0x3  }
0x63: {  	vm11 =	vgt.u32 v15, $0x1387;
	[tilespmem:$0x120] =	vst v12;
	v12 =	vsel vm10, $0x280, v14;
	v14 =	vld [tilespmem:$0xE0]  }
0x64: {  	v16 =	vsub.s32 v63, v0;
	[tilespmem:$0x1A0] =	vst v12;
	v12 =	vsel vm11, $0x1400, v15;
	v15 =	vshrl.u32 v15, $0x3  }
0x65: {  	vm12 =	vgt.u32 v16, $0x1387;
	[tilespmem:$0x130] =	vst v12;
	v12 =	vsel vm11, $0x280, v15;
	v15 =	vld [tilespmem:$0xF0]  }
0x66: {  	[tilespmem:$0x1B0] =	vst v12;
	v12 =	vsel vm12, $0x1400, v16;
	v16 =	vshrl.u32 v16, $0x3;
	v13 =	vsub.s32 v13, v0  }
0x67: {  	[tilespmem:$0x140] =	vst v12;
	v12 =	vsel vm12, $0x280, v16;
	vm13 =	vgt.u32 v13, $0x1387  }
0x68: {  	[tilespmem:$0x1C0] =	vst v12;
	v12 =	vsel vm13, $0x1400, v13;
	v13 =	vshrl.u32 v13, $0x3;
	v14 =	vsub.s32 v14, v0  }
0x69: {  	[tilespmem:$0x150] =	vst v12;
	v12 =	vsel vm13, $0x280, v13;
	vm14 =	vgt.u32 v14, $0x1387  }
0x6a: {  	v13 =	vshrl.u32 v14, $0x3;
	[tilespmem:$0x1D0] =	vst v12;
	v12 =	vsel vm14, $0x1400, v14;
	v14 =	vsub.s32 v15, v0  }
0x6b: {  	[tilespmem:$0x160] =	vst v12;
	v12 =	vsel vm14, $0x280, v13;
	vm15 =	vgt.u32 v14, $0x1387  }
0x6c: {  	v13 =	vshrl.u32 v14, $0x3;
	[tilespmem:$0x1E0] =	vst v12;
	v12 =	vsel vm15, $0x1400, v14  }
0x6d: {  	[tilespmem:$0x170] =	vst v12;
	v12 =	vsel vm15, $0x280, v13  }
0x6e: {  	[tilespmem:$0x1F0] =	vst v12  }
0x6f: {  	_ =	swait.ge [sflag:s19], $0x4000  }
0x70: {  	[sflag:s19] =	ssyncset.done $0x0  }
0x71: {  	[sflag:s19] =	ssyncadd.s32 $0xFFFFC000  }
0x72: {  	_ =	swait.ge [sflag:s19], $0x4000  }
0x73: {  	[sflag:s19] =	ssyncset.done $0x0  }
0x74: {  	[sflag:s19] =	ssyncadd.s32 $0xFFFFC000  }
0x75: {  	_ =	swait.ge [sflag:s19], $0x4000  }
0x76: {  	[sflag:s19] =	ssyncset.done $0x0  }
0x77: {  	[sflag:s19] =	ssyncadd.s32 $0xFFFFC000  }
0x78: {  	v12 =	vld [tilespmem:s28+$0x0];
	_ =	sdelay $0x1  }
0x79: {  	v13 =	vld [tilespmem:s26+$0x0];
	_ =	sdelay $0x2  }
0x7a: {  	v12 =	vperm.xlane v12, v2;
	_ =	sdelay $0x1  }
0x7b: {  	v12 =	vadd.f32 v12, v13;
	_ =	sdelay $0x1  }
0x7c: {  	v13 =	vmul.f32 $9.999999770e-03, v12  }
0x7d: {  	s30 =	simm.s32 $0xC240;
	s29 =	simm.s32 $0x8240  }
0x7e: {  	s31 =	simm.s32 $0x1;
	s25 =	simm.s32 $0xC240;
	s2 =	simm.s32 $0x82C0;
	v12 =	vmax.f32 v12, v13  }
.LBB2_6:
0x7f: {  	v12 =	vmin.f32 v12, $5.000000000e+01;
	s28 =	sadd.s32 $0x80, s28;
	s26 =	sadd.s32 $0x80, s26;
	s30 =	sadd.s32 $0x80, s30  }
0x80: {  	p0 =	sne.s32 s31, $0x7F;
	s10 =	smov.u32 s31;
	s31 =	sadd.s32 $0x1, s31;
	v12 =	vmul.f32 $1.442695020e+00, v12  }
0x81: {  	_ = 	snop  }
0x82: {  	(erf) = vpow2.f32 v12;
	_ =	sdelay $0x6  }
0x83: {  	v12 =	vld [tilespmem:s29+$0xFFFFFFF0]  }
0x84: {  	v13 =	vld [tilespmem:s29+$0x30]  }
0x85: {  	v14 =	vld [tilespmem:s29+$0xFFFFFFD0];
	v15 =	vpop (erf)  }
0x86: {  	v15 =	vmul.f32 v3, v15;
	v16 =	vld [tilespmem:s29+$0xFFFFFFE0]  }
0x87: {  	v17 =	vld [tilespmem:s29+$0x20]  }
0x88: {  	v18 =	vperm.xlane v15, v5;
	v19 =	vld [tilespmem:s29+$0x10];
	v20 =	vperm.xlane v15, v11  }
0x89: {  	v22 =	vperm.xlane v15, v6;
	v23 =	vperm.xlane v15, v7;
	v21 =	vld [tilespmem:s29+$0xFFFFFFC0]  }
0x8a: {  	v14 =	vmul.f32 v14, v18;
	v18 =	vld [tilespmem:s29+$0x0];
	v13 =	vmul.f32 v13, v20  }
0x8b: {  	v12 =	vmul.f32 v12, v23;
	v16 =	vmul.f32 v16, v22  }
0x8c: {  	v20 =	vperm.xlane v15, v4;
	[tilespmem:s29+$0xFFFFFFD0] =	vst v14;
	v14 =	vperm.xlane v15, v9  }
0x8d: {  	v22 =	vperm.xlane v15, v10;
	[tilespmem:s29+$0xFFFFFFF0] =	vst v12;
	v12 =	vperm.xlane v15, v8  }
0x8e: {  	v20 =	vmul.f32 v21, v20;
	v14 =	vmul.f32 v19, v14;
	[tilespmem:s29+$0x30] =	vst v13  }
0x8f: {  	v13 =	vmul.f32 v17, v22;
	[tilespmem:s29+$0xFFFFFFE0] =	vst v16;
	v12 =	vmul.f32 v18, v12  }
0x90: {  	[tilespmem:s29+$0xFFFFFFC0] =	vst v20  }
0x91: {  	[tilespmem:s29+$0x20] =	vst v13  }
0x92: {  	[tilespmem:s29+$0x0] =	vst v12  }
0x93: {  	s11 =	sand.u32 $0x70, s24;
	[tilespmem:s29+$0x10] =	vst v14;
	s29 =	smov.u32 s2  }
0x94: {  	v12 =	vld [tilespmem:s11+$0x80];
	_ =	sdelay $0x4  }
0x95: {  	v12 =	vand.u32 $0x7, v12  }
0x96: {  	v12 =	vcvt.s32.f32 v12  }
0x97: {  	v13 =	vmov s24;
	s24 =	smov.u32 s10  }
0x98: {  	v12 =	vperm.xlane v12, v13;
	_ =	sdelay $0x1  }
0x99: {  	v13 =	vand.u32 $0x7FFFFFFF, v12;
	v14 =	vadd.f32 $-1.000000000e+00, v12;
	v16 =	vadd.f32 $-2.000000000e+00, v12  }
0x9a: {  	v17 =	vadd.f32 $-3.000000000e+00, v12;
	v18 =	vadd.f32 $-4.000000000e+00, v12;
	v13 =	vmin.f32 v13, $1.000000000e+00  }
0x9b: {  	v19 =	vadd.f32 $-5.000000000e+00, v12;
	v20 =	vadd.f32 $-6.000000000e+00, v12;
	v14 =	vand.u32 $0x7FFFFFFF, v14  }
0x9c: {  	v12 =	vadd.f32 $-7.000000000e+00, v12;
	v17 =	vand.u32 $0x7FFFFFFF, v17;
	v18 =	vand.u32 $0x7FFFFFFF, v18  }
0x9d: {  	v19 =	vand.u32 $0x7FFFFFFF, v19;
	v17 =	vmin.f32 v17, $1.000000000e+00;
	v18 =	vmin.f32 v18, $1.000000000e+00  }
0x9e: {  	v12 =	vand.u32 $0x7FFFFFFF, v12;
	v17 =	vsub.f32 $1.000000000e+00, v17;
	v18 =	vsub.f32 $1.000000000e+00, v18  }
0x9f: {  	v20 =	vand.u32 $0x7FFFFFFF, v20;
	v19 =	vmin.f32 v19, $1.000000000e+00;
	v12 =	vmin.f32 v12, $1.000000000e+00  }
0xa0: {  	v12 =	vsub.f32 $1.000000000e+00, v12;
	v17 =	vmul.f32 v17, v15;
	v18 =	vmul.f32 v18, v15  }
0xa1: {  	v16 =	vand.u32 $0x7FFFFFFF, v16;
	v20 =	vmin.f32 v20, $1.000000000e+00;
	v19 =	vsub.f32 $1.000000000e+00, v19  }
0xa2: {  	v16 =	vmin.f32 v16, $1.000000000e+00;
	v12 =	vmul.f32 v12, v15;
	[tilespmem:s25+$0xFFFFFFF0] =	vst v17;
	v17 =	vsub.f32 $1.000000000e+00, v20  }
0xa3: {  	v14 =	vmin.f32 v14, $1.000000000e+00;
	v16 =	vsub.f32 $1.000000000e+00, v16;
	[tilespmem:s25+$0x0] =	vst v18;
	v18 =	vmul.f32 v19, v15  }
0xa4: {  	v13 =	vsub.f32 $1.000000000e+00, v13;
	v14 =	vsub.f32 $1.000000000e+00, v14;
	v17 =	vmul.f32 v17, v15;
	[tilespmem:s25+$0x30] =	vst v12  }
0xa5: {  	v12 =	vmul.f32 v16, v15;
	[tilespmem:s25+$0x10] =	vst v18  }
0xa6: {  	v13 =	vmul.f32 v13, v15;
	v14 =	vmul.f32 v14, v15;
	[tilespmem:s25+$0x20] =	vst v17  }
0xa7: {  	[tilespmem:s25+$0xFFFFFFE0] =	vst v12  }
0xa8: {  	[tilespmem:s25+$0xFFFFFFD0] =	vst v14  }
0xa9: {  	[tilespmem:s25+$0xFFFFFFC0] =	vst v13;
	s25 =	smov.u32 s30  }
0xaa: {  	v12 =	vld [tilespmem:s28+$0x0];
	_ =	sdelay $0x1  }
0xab: {  	v13 =	vld [tilespmem:s26+$0x0];
	_ =	sdelay $0x2  }
0xac: {  	v12 =	vperm.xlane v12, v2;
	_ =	sdelay $0x1  }
.Ltmp6:
0xad: {  	v12 =	vadd.f32 v12, v13;
	(pc) =	sbr.rel @p0 .LBB2_6-.Ltmp6, $3  }
0xae: {  	_ = 	snop  }
0xaf: {  	v13 =	vmul.f32 $9.999999770e-03, v12;
	_ =	sdelay $0x1  }
0xb0: {  	s2 =	sadd.s32 $0x80, s2;
	v12 =	vmax.f32 v12, v13  }
0xb1: {  	v12 =	vmin.f32 v12, $5.000000000e+01  }
0xb2: {  	v12 =	vmul.f32 $1.442695020e+00, v12;
	_ =	sdelay $0x1  }
0xb3: {  	(erf) = vpow2.f32 v12;
	_ =	sdelay $0x8  }
0xb4: {  	v43 =	vld [tilespmem:s29+$0xFFFFFFD0];
	v13 =	vpop (erf)  }
0xb5: {  	v14 =	vld [tilespmem:s29+$0xFFFFFFF0];
	v13 =	vmul.f32 v3, v13  }
0xb6: {  	v15 =	vld [tilespmem:s29+$0x30]  }
0xb7: {  	v16 =	vld [tilespmem:s29+$0xFFFFFFE0];
	v17 =	vperm.xlane v13, v5  }
0xb8: {  	v18 =	vld [tilespmem:s29+$0xFFFFFFC0];
	v19 =	vperm.xlane v13, v7  }
0xb9: {  	v20 =	vld [tilespmem:s29+$0x20];
	v21 =	vperm.xlane v13, v11;
	v12 =	vmul.f32 v43, v17  }
0xba: {  	v22 =	vld [tilespmem:s29+$0x0];
	v44 =	vperm.xlane v13, v6;
	v14 =	vmul.f32 v14, v19  }
0xbb: {  	v45 =	vld [tilespmem:s29+$0x10];
	v46 =	vperm.xlane v13, v4;
	v15 =	vmul.f32 v15, v21;
	[tilespmem:s29+$0xFFFFFFD0] =	vst v12  }
0xbc: {  	v48 =	vperm.xlane v13, v10;
	v47 =	vmul.f32 v16, v44;
	[tilespmem:s29+$0xFFFFFFF0] =	vst v14  }
0xbd: {  	v49 =	vperm.xlane v13, v8;
	v50 =	vmul.f32 v18, v46;
	[tilespmem:s29+$0x30] =	vst v15  }
0xbe: {  	v51 =	vperm.xlane v13, v9;
	v52 =	vmul.f32 v20, v48;
	[tilespmem:s29+$0xFFFFFFE0] =	vst v47  }
0xbf: {  	v53 =	vmul.f32 v22, v49;
	[tilespmem:s29+$0xFFFFFFC0] =	vst v50  }
0xc0: {  	v15 =	vmul.f32 v45, v51;
	[tilespmem:s29+$0x20] =	vst v52  }
0xc1: {  	[tilespmem:s29+$0x0] =	vst v53  }
0xc2: {  	s2 =	sand.u32 $0x70, s24;
	[tilespmem:s29+$0x10] =	vst v15  }
0xc3: {  	v12 =	vld [tilespmem:s2+$0x80];
	_ =	sdelay $0x4  }
0xc4: {  	v12 =	vand.u32 $0x7, v12  }
0xc5: {  	v12 =	vcvt.s32.f32 v12  }
0xc6: {  	v54 =	vmov s24  }
0xc7: {  	v12 =	vperm.xlane v12, v54;
	_ =	sdelay $0x1  }
0xc8: {  	v14 =	vadd.f32 $-1.000000000e+00, v12  }
0xc9: {  	v55 =	vadd.f32 $-2.000000000e+00, v12;
	v57 =	vadd.f32 $-3.000000000e+00, v12  }
0xca: {  	v58 =	vadd.f32 $-4.000000000e+00, v12;
	v59 =	vadd.f32 $-5.000000000e+00, v12  }
0xcb: {  	v56 =	vand.u32 $0x7FFFFFFF, v12;
	v60 =	vadd.f32 $-6.000000000e+00, v12;
	v12 =	vadd.f32 $-7.000000000e+00, v12  }
0xcc: {  	v14 =	vand.u32 $0x7FFFFFFF, v14;
	v17 =	vand.u32 $0x7FFFFFFF, v57;
	v18 =	vand.u32 $0x7FFFFFFF, v58  }
0xcd: {  	v19 =	vand.u32 $0x7FFFFFFF, v59;
	v12 =	vand.u32 $0x7FFFFFFF, v12;
	v17 =	vmin.f32 v17, $1.000000000e+00  }
0xce: {  	v20 =	vand.u32 $0x7FFFFFFF, v60;
	v18 =	vmin.f32 v18, $1.000000000e+00;
	v17 =	vsub.f32 $1.000000000e+00, v17  }
0xcf: {  	v15 =	vand.u32 $0x7FFFFFFF, v55;
	v12 =	vmin.f32 v12, $1.000000000e+00;
	v18 =	vsub.f32 $1.000000000e+00, v18  }
0xd0: {  	v19 =	vmin.f32 v19, $1.000000000e+00;
	v12 =	vsub.f32 $1.000000000e+00, v12;
	v17 =	vmul.f32 v17, v13  }
0xd1: {  	v15 =	vmin.f32 v15, $1.000000000e+00;
	v19 =	vsub.f32 $1.000000000e+00, v19;
	v18 =	vmul.f32 v18, v13  }
0xd2: {  	v14 =	vmin.f32 v14, $1.000000000e+00;
	v15 =	vsub.f32 $1.000000000e+00, v15;
	v12 =	vmul.f32 v12, v13;
	[tilespmem:s25+$0xFFFFFFF0] =	vst v17  }
0xd3: {  	v20 =	vmin.f32 v20, $1.000000000e+00;
	v14 =	vsub.f32 $1.000000000e+00, v14;
	v62 =	vmul.f32 v19, v13;
	[tilespmem:s25+$0x0] =	vst v18  }
0xd4: {  	v16 =	vmin.f32 v56, $1.000000000e+00;
	v61 =	vsub.f32 $1.000000000e+00, v20;
	v15 =	vmul.f32 v15, v13;
	[tilespmem:s25+$0x30] =	vst v12  }
0xd5: {  	v63 =	vsub.f32 $1.000000000e+00, v16;
	v14 =	vmul.f32 v14, v13;
	[tilespmem:s25+$0x10] =	vst v62  }
0xd6: {  	v17 =	vmul.f32 v61, v13;
	[tilespmem:s25+$0xFFFFFFE0] =	vst v15  }
0xd7: {  	v12 =	vmul.f32 v63, v13;
	[tilespmem:s25+$0xFFFFFFD0] =	vst v14  }
0xd8: {  	[tilespmem:s25+$0x20] =	vst v17  }
0xd9: {  	[tilespmem:s25+$0xFFFFFFC0] =	vst v12  }
0xda: {  	[spmem:s4] =	stream.indirect.scatter.add.f32 [tilespmem:s21], [sflag:$0x1], $0x80, s20, s18, $0xb8;
	[tilespmem:$0x1BE00] =	vst v63  }
0xdb: {  	_ = 	snop  }
0xdc: {  	[spmem:s3] =	stream.indirect.scatter.add.f32 [tilespmem:s16], [sflag:$0x1], $0x80, s22, s18, $0xb8;
	[tilespmem:$0x1BE00] =	vst v63  }
0xdd: {  	_ =	swait.ge [sflag:s19], $0x4000  }
.Ltmp7:
0xde: {  	[sflag:s19] =	ssyncset.done $0x0;
	(pc) =	sbr.rel .LBB2_8-.Ltmp7, $4  }
0xdf: {  	[sflag:s19] =	ssyncadd.s32 $0xFFFFC000  }
0xe0: {  	_ =	swait.ge [sflag:s19], $0x4000  }
0xe1: {  	[sflag:s19] =	ssyncset.done $0x0  }
0xe2: {  	[sflag:s19] =	ssyncadd.s32 $0xFFFFC000  }
.LBB2_10:
0xe3: {  	_ =	sfence.sel $0x180000  }
0xe4: {  	[bflag:$0x0] =	sbarrier.arrive $0xFFFF  }
0xe5: {  	_ =	strace $0x90000047  }
0xe6: {  	[bflag:$0x2] =	sbarrier.arrive $0xFFFF  }
0xe7: {  	p0 =	sne.s32 s0, $0x0;
	s0 =	rddreg [dreg:$0x5]  }
0xe8: {  	s0 =	sadd.s32 @!p0 $0x100000, s0  }
0xe9: {  	[sflag:s0] =	ssyncadd.tile.s32 @!p0 $0x1;
	_ =	shalt  }
.Lfunc_end2:
_tile_overlayer_lowered:
.L_overlay_start_2:
0xea: {  	(tag) =	ssettag $0x2  }
0xeb: {  	s0 =	rddreg [dreg:$0x0];
	s2 =	stileid.u32  }
0xec: {  	s1 =	rddreg [dreg:$0x1];
	p0 =	sne.s32 s2, $0x0  }
0xed: {  	s3 =	rddreg [dreg:$0x2];
	[bflag:$0x3] =	sbarrier.arrive $0xFFFF;
	s2 =	simm.s32 @!p0 $0x1C02  }
0xee: {  	[timem:s3], [sflag:s2] =	dma.local @!p0 [hbm:s0], s1  }
0xef: {  	s0 =	simm.s32 @!p0 $0x2  }
0xf0: {  	_ =	swait.ge @!p0 [sflag:s0], s1  }
0xf1: {  	s1 =	ssub.s32 @!p0 $0x0, s1;
	[sflag:s0] =	ssyncset.done @!p0 $0x0  }
0xf2: {  	[sflag:s0] =	ssyncadd.s32 @!p0 s1  }
0xf3: {  	[bflag:$0x3] =	sbarrier.arrive $0xFFFF  }
0xf4: {  	_ =	shalt  }

</sc_bundles>
